<compile_context>
chip_gen: v7x
topology: tpu7x:2x2x1
jax: 0.10.2.dev20260603
libtpu: 0.0.44.dev20260713+nightly
codegen_flags: <defaults>
</compile_context>

<pallas_src>
import functools

import jax
import jax.numpy as jnp
from jax import lax
from jax.experimental import pallas as pl
from jax.experimental.pallas import tpu as pltpu
from jax.experimental.pallas import tpu_sc as plsc

N = 36864
D = 64
K = 1024


T1 = 576
BD0 = 4
TB = BD0 * T1
G = N // TB


def _argmin_body(xt_ref, et_ref, out_ref):
    et = et_ref[...]
    s2 = jnp.sum(et * et, axis=0)[:, None]
    ids = lax.broadcasted_iota(jnp.int32, (K, T1), 0)
    for s in range(BD0):
        xts = xt_ref[s]
        s1 = jnp.sum(xts * xts, axis=0)[None, :]
        xe = lax.dot_general(
            et, xts, (((0,), (0,)), ((), ())),
            preferred_element_type=jnp.float32,
        )
        dist = -(s1 - 2.0 * xe + s2)
        m = jnp.max(dist, axis=0)[None, :]
        cand = jnp.where(dist == m, ids, jnp.int32(1 << 30))
        out_ref[0, 0, pl.ds(s * T1, T1)] = jnp.min(cand, axis=0)


def _argmin_indices(xt, et, g0, g1):
    gs = g1 - g0
    return pl.pallas_call(
        _argmin_body,
        grid=(gs,),
        in_specs=[
            pl.BlockSpec((BD0, D, T1), lambda i: (i + g0, 0, 0)),
            pl.BlockSpec((D, K), lambda i: (0, 0)),
        ],
        out_specs=pl.BlockSpec((1, 1, TB), lambda i: (i, 0, 0)),
        out_shape=jax.ShapeDtypeStruct((gs, 1, TB), jnp.int32),
    )(xt, et)



NC = 2
NS = 16
NW = NC * NS


@functools.cache
def _sc_gather_fn(n_tok, chunk, cpw, base):
    rows_per_w = n_tok // NW

    def body(table_hbm, idx_hbm, out_hbm, idx_v, rows_v, sem):
        wid = lax.axis_index("s") * NC + lax.axis_index("c")
        pltpu.sync_copy(idx_hbm.at[wid], idx_v)
        copies = []
        for j in range(cpw):
            copies.append(pltpu.async_copy(
                table_hbm.at[idx_v.at[j]],
                rows_v.at[pl.ds(j * chunk, chunk)],
                sem,
            ))
        for c in copies:
            c.wait()
        pltpu.sync_copy(
            rows_v, out_hbm.at[pl.ds(base + wid * rows_per_w, rows_per_w)])

    mesh = plsc.VectorSubcoreMesh(
        core_axis_name="c", subcore_axis_name="s",
        num_cores=NC, num_subcores=NS)
    return pl.kernel(
        body,
        out_type=(),
        mesh=mesh,
        scratch_types=[
            pltpu.VMEM((cpw, chunk), jnp.int32),
            pltpu.VMEM((rows_per_w, 2 * D), jnp.float32),
            pltpu.SemaphoreType.DMA,
        ],
        compiler_params=pltpu.CompilerParams(use_tc_tiling_on_sc=True),
    )



SLICE_GS = (5, 4, 4, 3)


def kernel(x, embed):
    shape = x.shape
    xt = x.transpose(0, 2, 1)
    et = embed.T
    table = jnp.concatenate([embed, embed], axis=1)
    out_ref = jax.new_ref(jnp.zeros((N, 2 * D), jnp.float32))
    g0 = 0
    for gs in SLICE_GS:
        n_tok = gs * TB
        rpw = n_tok // NW
        chunk = max(c for c in range(8, 129, 8) if rpw % c == 0)
        cpw = rpw // chunk
        idx = (_argmin_indices(xt, et, g0, g0 + gs)
               .reshape(NW, cpw, chunk))
        _sc_gather_fn(n_tok, chunk, cpw, g0 * TB)(table, idx, out_ref)
        g0 += gs
    out = out_ref[...]
    return out[:, :D].reshape(shape)

# --- scband reference (transcript-rebuilt; emitter-appended) ---
"""Pipeline reference for scband-euclidean-codebook-52209622450624 (READ-ONLY COPY).

The authoritative reference and input builder live on the scoring server;
editing this copy changes nothing except your own understanding.
"""

import jax, jax.numpy as jnp
import numpy as np


def setup_inputs(seed: int = 0) -> dict:
    key = jax.random.key(seed)
    kx, ke = jax.random.split(key)
    x = jax.random.normal(kx, (64, 576, 64), dtype=jnp.float32)
    embed = jax.random.normal(ke, (1024, 64), dtype=jnp.float32)  # codebook_weight buffer
    return {"x": x, "embed": embed}


def reference(x, embed):
    shape = x.shape
    # preprocess: rearrange '... d -> (...) d'
    flat = x.reshape(-1, shape[-1])
    # quantize: negative squared euclidean distance, argmax
    embed_t = embed.T  # [d, K]
    dist = -(jnp.sum(flat ** 2, axis=1, keepdims=True)
             - 2.0 * (flat @ embed_t)
             + jnp.sum(embed_t ** 2, axis=0, keepdims=True))
    embed_ind = jnp.argmax(dist, axis=-1)
    # postprocess_emb: view back to leading shape
    embed_ind = embed_ind.reshape(shape[:-1])
    # dequantize: embedding lookup (gather)
    quantize = jnp.take(embed, embed_ind, axis=0)
    return quantize

if __name__ == "__main__":
    import jax
    _d = setup_inputs()
    print(jax.jit(kernel)(*tuple(_d.values())))

</pallas_src>

<mosaic_0001>
#map = affine_map<(d0, d1) -> (0, 0)>
#map1 = affine_map<(d0, d1) -> (0, 0, 0)>
module attributes {stable_mosaic.version = 14 : i64} {
  func.func @new_body(%arg0: i32, %arg1: i32, %arg2: memref<1024x128xf32, #tpu.memory_space<hbm>>, %arg3: memref<32x3x120xi32, #tpu.memory_space<hbm>>, %arg4: memref<36864x128xf32, #tpu.memory_space<hbm>>, %arg5: memref<36864x128xf32, #tpu.memory_space<hbm>>, %arg6: memref<3x120xi32, #tpu.memory_space<vmem>>, %arg7: memref<360x128xf32, #tpu.memory_space<vmem>>, %arg8: memref<!tpu.dma_semaphore, #tpu.memory_space<semaphore_mem>>) attributes {dimension_semantics = [#tpu.dimension_semantics<core_parallel>, #tpu.dimension_semantics<subcore_parallel>], iteration_bounds = array<i64: 2, 16>, scalar_prefetch = 0 : i64, scratch_operands = 3 : i64, tpu.core_type = #tpu.core_type<sc_vector_subcore>, window_params = [{transform_indices = #map}, {transform_indices = #map1}, {transform_indices = #map}, {transform_indices = #map}]} {
    %mul3A = arith.constant 2 : i32
    %mul3A_0 = arith.muli %arg1, %mul3A : i32
    %add3A = arith.addi %mul3A_0, %arg0 : i32
    "tpu.region"() ({
      %run_scoped3A = tpu.sem_alloc : memref<!tpu.dma_semaphore, #tpu.memory_space<semaphore_mem>>
      %dma_start3A_63 = arith.constant 0 : i32
      %dma_start3A_64 = arith.constant 0 : i32
      %dma_start3A_65 = tpu.memref_slice %arg3[%add3A, %dma_start3A_63, %dma_start3A_64] : memref<32x3x120xi32, #tpu.memory_space<hbm>> -> memref<1x3x120xi32, #tpu.memory_space<hbm>>
      %dma_start3A_66 = tpu.memref_squeeze %dma_start3A_65 : memref<1x3x120xi32, #tpu.memory_space<hbm>> -> memref<3x120xi32, #tpu.memory_space<hbm>>
      %dma_start3A_67 = arith.constant 0 : i32
      %dma_start3A_68 = arith.constant 0 : i32
      %dma_start3A_69 = tpu.memref_slice %arg3[%add3A, %dma_start3A_67, %dma_start3A_68] : memref<32x3x120xi32, #tpu.memory_space<hbm>> -> memref<1x3x120xi32, #tpu.memory_space<hbm>>
      %dma_start3A_70 = tpu.memref_squeeze %dma_start3A_69 : memref<1x3x120xi32, #tpu.memory_space<hbm>> -> memref<3x120xi32, #tpu.memory_space<hbm>>
      tpu.enqueue_dma source(%dma_start3A_70 : memref<3x120xi32, #tpu.memory_space<hbm>>) target(%arg6 : memref<3x120xi32, #tpu.memory_space<vmem>>) target_semaphore(%run_scoped3A : memref<!tpu.dma_semaphore, #tpu.memory_space<semaphore_mem>>)
      %dma_wait3A_71 = arith.constant 0 : i32
      %dma_wait3A_72 = arith.constant 0 : i32
      %dma_wait3A_73 = tpu.memref_slice %arg3[%add3A, %dma_wait3A_71, %dma_wait3A_72] : memref<32x3x120xi32, #tpu.memory_space<hbm>> -> memref<1x3x120xi32, #tpu.memory_space<hbm>>
      %dma_wait3A_74 = tpu.memref_squeeze %dma_wait3A_73 : memref<1x3x120xi32, #tpu.memory_space<hbm>> -> memref<3x120xi32, #tpu.memory_space<hbm>>
      %dma_wait3A_75 = arith.constant 0 : i32
      %dma_wait3A_76 = arith.constant 0 : i32
      %dma_wait3A_77 = tpu.memref_slice %arg3[%add3A, %dma_wait3A_75, %dma_wait3A_76] : memref<32x3x120xi32, #tpu.memory_space<hbm>> -> memref<1x3x120xi32, #tpu.memory_space<hbm>>
      %dma_wait3A_78 = tpu.memref_squeeze %dma_wait3A_77 : memref<1x3x120xi32, #tpu.memory_space<hbm>> -> memref<3x120xi32, #tpu.memory_space<hbm>>
      tpu.wait_dma2 semaphore(%run_scoped3A : memref<!tpu.dma_semaphore, #tpu.memory_space<semaphore_mem>>) src(%dma_wait3A_78 : memref<3x120xi32, #tpu.memory_space<hbm>>) dst(%arg6 : memref<3x120xi32, #tpu.memory_space<vmem>>)
      tpu.yield
    }) : () -> ()
    %dma_start3A = arith.constant 0 : i32
    %dma_start3A_1 = arith.constant 0 : i32
    %dma_start3A_2 = arith.constant 0 : i32
    %dma_start3A_3 = tpu.memref_slice %arg7[%dma_start3A_1, %dma_start3A_2] : memref<360x128xf32, #tpu.memory_space<vmem>> -> memref<120x128xf32, #tpu.memory_space<vmem>>
    %dma_start3A_4 = arith.constant 0 : i32
    %dma_start3A_5 = tpu.memref_slice %arg6[%dma_start3A, %dma_start3A_4] : memref<3x120xi32, #tpu.memory_space<vmem>> -> memref<1x120xi32, #tpu.memory_space<vmem>>
    %dma_start3A_6 = tpu.memref_squeeze %dma_start3A_5 : memref<1x120xi32, #tpu.memory_space<vmem>> -> memref<120xi32, #tpu.memory_space<vmem>>
    %dma_start3A_7 = arith.constant 0 : i32
    %dma_start3A_8 = arith.constant 0 : i32
    %dma_start3A_9 = tpu.memref_slice %arg2[%dma_start3A_7, %dma_start3A_8] : memref<1024x128xf32, #tpu.memory_space<hbm>> -> memref<1024x128xf32, #tpu.memory_space<hbm>>
    tpu.enqueue_indirect_dma source(%dma_start3A_9 : memref<1024x128xf32, #tpu.memory_space<hbm>>) target(%dma_start3A_3 : memref<120x128xf32, #tpu.memory_space<vmem>>) offsets(%dma_start3A_6 : memref<120xi32, #tpu.memory_space<vmem>>) semaphore(%arg8 : memref<!tpu.dma_semaphore, #tpu.memory_space<semaphore_mem>>)
    %dma_start3A_10 = arith.constant 1 : i32
    %dma_start3A_11 = arith.constant 120 : i32
    %dma_start3A_12 = arith.constant 0 : i32
    %dma_start3A_13 = tpu.memref_slice %arg7[%dma_start3A_11, %dma_start3A_12] : memref<360x128xf32, #tpu.memory_space<vmem>> -> memref<120x128xf32, #tpu.memory_space<vmem>>
    %dma_start3A_14 = arith.constant 0 : i32
    %dma_start3A_15 = tpu.memref_slice %arg6[%dma_start3A_10, %dma_start3A_14] : memref<3x120xi32, #tpu.memory_space<vmem>> -> memref<1x120xi32, #tpu.memory_space<vmem>>
    %dma_start3A_16 = tpu.memref_squeeze %dma_start3A_15 : memref<1x120xi32, #tpu.memory_space<vmem>> -> memref<120xi32, #tpu.memory_space<vmem>>
    %dma_start3A_17 = arith.constant 0 : i32
    %dma_start3A_18 = arith.constant 0 : i32
    %dma_start3A_19 = tpu.memref_slice %arg2[%dma_start3A_17, %dma_start3A_18] : memref<1024x128xf32, #tpu.memory_space<hbm>> -> memref<1024x128xf32, #tpu.memory_space<hbm>>
    tpu.enqueue_indirect_dma source(%dma_start3A_19 : memref<1024x128xf32, #tpu.memory_space<hbm>>) target(%dma_start3A_13 : memref<120x128xf32, #tpu.memory_space<vmem>>) offsets(%dma_start3A_16 : memref<120xi32, #tpu.memory_space<vmem>>) semaphore(%arg8 : memref<!tpu.dma_semaphore, #tpu.memory_space<semaphore_mem>>)
    %dma_start3A_20 = arith.constant 2 : i32
    %dma_start3A_21 = arith.constant 240 : i32
    %dma_start3A_22 = arith.constant 0 : i32
    %dma_start3A_23 = tpu.memref_slice %arg7[%dma_start3A_21, %dma_start3A_22] : memref<360x128xf32, #tpu.memory_space<vmem>> -> memref<120x128xf32, #tpu.memory_space<vmem>>
    %dma_start3A_24 = arith.constant 0 : i32
    %dma_start3A_25 = tpu.memref_slice %arg6[%dma_start3A_20, %dma_start3A_24] : memref<3x120xi32, #tpu.memory_space<vmem>> -> memref<1x120xi32, #tpu.memory_space<vmem>>
    %dma_start3A_26 = tpu.memref_squeeze %dma_start3A_25 : memref<1x120xi32, #tpu.memory_space<vmem>> -> memref<120xi32, #tpu.memory_space<vmem>>
    %dma_start3A_27 = arith.constant 0 : i32
    %dma_start3A_28 = arith.constant 0 : i32
    %dma_start3A_29 = tpu.memref_slice %arg2[%dma_start3A_27, %dma_start3A_28] : memref<1024x128xf32, #tpu.memory_space<hbm>> -> memref<1024x128xf32, #tpu.memory_space<hbm>>
    tpu.enqueue_indirect_dma source(%dma_start3A_29 : memref<1024x128xf32, #tpu.memory_space<hbm>>) target(%dma_start3A_23 : memref<120x128xf32, #tpu.memory_space<vmem>>) offsets(%dma_start3A_26 : memref<120xi32, #tpu.memory_space<vmem>>) semaphore(%arg8 : memref<!tpu.dma_semaphore, #tpu.memory_space<semaphore_mem>>)
    %dma_wait3A = arith.constant 0 : i32
    %dma_wait3A_30 = arith.constant 0 : i32
    %dma_wait3A_31 = arith.constant 0 : i32
    %dma_wait3A_32 = tpu.memref_slice %arg7[%dma_wait3A_30, %dma_wait3A_31] : memref<360x128xf32, #tpu.memory_space<vmem>> -> memref<120x128xf32, #tpu.memory_space<vmem>>
    %dma_wait3A_33 = arith.constant 0 : i32
    %dma_wait3A_34 = tpu.memref_slice %arg6[%dma_wait3A, %dma_wait3A_33] : memref<3x120xi32, #tpu.memory_space<vmem>> -> memref<1x120xi32, #tpu.memory_space<vmem>>
    %dma_wait3A_35 = tpu.memref_squeeze %dma_wait3A_34 : memref<1x120xi32, #tpu.memory_space<vmem>> -> memref<120xi32, #tpu.memory_space<vmem>>
    %dma_wait3A_36 = arith.constant 0 : i32
    %dma_wait3A_37 = arith.constant 0 : i32
    %dma_wait3A_38 = tpu.memref_slice %arg2[%dma_wait3A_36, %dma_wait3A_37] : memref<1024x128xf32, #tpu.memory_space<hbm>> -> memref<1024x128xf32, #tpu.memory_space<hbm>>
    tpu.wait_indirect_dma semaphore(%arg8 : memref<!tpu.dma_semaphore, #tpu.memory_space<semaphore_mem>>) src(%dma_wait3A_38 : memref<1024x128xf32, #tpu.memory_space<hbm>>) dst(%dma_wait3A_32 : memref<120x128xf32, #tpu.memory_space<vmem>>)
    %dma_wait3A_39 = arith.constant 1 : i32
    %dma_wait3A_40 = arith.constant 120 : i32
    %dma_wait3A_41 = arith.constant 0 : i32
    %dma_wait3A_42 = tpu.memref_slice %arg7[%dma_wait3A_40, %dma_wait3A_41] : memref<360x128xf32, #tpu.memory_space<vmem>> -> memref<120x128xf32, #tpu.memory_space<vmem>>
    %dma_wait3A_43 = arith.constant 0 : i32
    %dma_wait3A_44 = tpu.memref_slice %arg6[%dma_wait3A_39, %dma_wait3A_43] : memref<3x120xi32, #tpu.memory_space<vmem>> -> memref<1x120xi32, #tpu.memory_space<vmem>>
    %dma_wait3A_45 = tpu.memref_squeeze %dma_wait3A_44 : memref<1x120xi32, #tpu.memory_space<vmem>> -> memref<120xi32, #tpu.memory_space<vmem>>
    %dma_wait3A_46 = arith.constant 0 : i32
    %dma_wait3A_47 = arith.constant 0 : i32
    %dma_wait3A_48 = tpu.memref_slice %arg2[%dma_wait3A_46, %dma_wait3A_47] : memref<1024x128xf32, #tpu.memory_space<hbm>> -> memref<1024x128xf32, #tpu.memory_space<hbm>>
    tpu.wait_indirect_dma semaphore(%arg8 : memref<!tpu.dma_semaphore, #tpu.memory_space<semaphore_mem>>) src(%dma_wait3A_48 : memref<1024x128xf32, #tpu.memory_space<hbm>>) dst(%dma_wait3A_42 : memref<120x128xf32, #tpu.memory_space<vmem>>)
    %dma_wait3A_49 = arith.constant 2 : i32
    %dma_wait3A_50 = arith.constant 240 : i32
    %dma_wait3A_51 = arith.constant 0 : i32
    %dma_wait3A_52 = tpu.memref_slice %arg7[%dma_wait3A_50, %dma_wait3A_51] : memref<360x128xf32, #tpu.memory_space<vmem>> -> memref<120x128xf32, #tpu.memory_space<vmem>>
    %dma_wait3A_53 = arith.constant 0 : i32
    %dma_wait3A_54 = tpu.memref_slice %arg6[%dma_wait3A_49, %dma_wait3A_53] : memref<3x120xi32, #tpu.memory_space<vmem>> -> memref<1x120xi32, #tpu.memory_space<vmem>>
    %dma_wait3A_55 = tpu.memref_squeeze %dma_wait3A_54 : memref<1x120xi32, #tpu.memory_space<vmem>> -> memref<120xi32, #tpu.memory_space<vmem>>
    %dma_wait3A_56 = arith.constant 0 : i32
    %dma_wait3A_57 = arith.constant 0 : i32
    %dma_wait3A_58 = tpu.memref_slice %arg2[%dma_wait3A_56, %dma_wait3A_57] : memref<1024x128xf32, #tpu.memory_space<hbm>> -> memref<1024x128xf32, #tpu.memory_space<hbm>>
    tpu.wait_indirect_dma semaphore(%arg8 : memref<!tpu.dma_semaphore, #tpu.memory_space<semaphore_mem>>) src(%dma_wait3A_58 : memref<1024x128xf32, #tpu.memory_space<hbm>>) dst(%dma_wait3A_52 : memref<120x128xf32, #tpu.memory_space<vmem>>)
    %mul3A_59 = arith.constant 360 : i32
    %mul3A_60 = arith.muli %add3A, %mul3A_59 : i32
    %add3A_61 = arith.constant 0 : i32
    %add3A_62 = arith.addi %add3A_61, %mul3A_60 : i32
    "tpu.region"() ({
      %run_scoped3A = tpu.sem_alloc : memref<!tpu.dma_semaphore, #tpu.memory_space<semaphore_mem>>
      %dma_start3A_63 = arith.constant 0 : i32
      %dma_start3A_64 = tpu.memref_slice %arg4[%add3A_62, %dma_start3A_63] : memref<36864x128xf32, #tpu.memory_space<hbm>> -> memref<360x128xf32, #tpu.memory_space<hbm>>
      %dma_start3A_65 = arith.constant 0 : i32
      %dma_start3A_66 = tpu.memref_slice %arg4[%add3A_62, %dma_start3A_65] : memref<36864x128xf32, #tpu.memory_space<hbm>> -> memref<360x128xf32, #tpu.memory_space<hbm>>
      tpu.enqueue_dma source(%arg7 : memref<360x128xf32, #tpu.memory_space<vmem>>) target(%dma_start3A_66 : memref<360x128xf32, #tpu.memory_space<hbm>>) target_semaphore(%run_scoped3A : memref<!tpu.dma_semaphore, #tpu.memory_space<semaphore_mem>>)
      %dma_wait3A_67 = arith.constant 0 : i32
      %dma_wait3A_68 = tpu.memref_slice %arg4[%add3A_62, %dma_wait3A_67] : memref<36864x128xf32, #tpu.memory_space<hbm>> -> memref<360x128xf32, #tpu.memory_space<hbm>>
      %dma_wait3A_69 = arith.constant 0 : i32
      %dma_wait3A_70 = tpu.memref_slice %arg4[%add3A_62, %dma_wait3A_69] : memref<36864x128xf32, #tpu.memory_space<hbm>> -> memref<360x128xf32, #tpu.memory_space<hbm>>
      tpu.wait_dma2 semaphore(%run_scoped3A : memref<!tpu.dma_semaphore, #tpu.memory_space<semaphore_mem>>) src(%arg7 : memref<360x128xf32, #tpu.memory_space<vmem>>) dst(%dma_wait3A_70 : memref<360x128xf32, #tpu.memory_space<hbm>>)
      tpu.yield
    }) : () -> ()
    return
  }
}

#map = affine_map<(d0, d1) -> (0, 0)>
#map1 = affine_map<(d0, d1) -> (0, 0, 0)>
module attributes {stable_mosaic.version = 14 : i64} {
  func.func @new_body(%arg0: i32, %arg1: i32, %arg2: memref<1024x128xf32, #tpu.memory_space<hbm>>, %arg3: memref<32x3x96xi32, #tpu.memory_space<hbm>>, %arg4: memref<36864x128xf32, #tpu.memory_space<hbm>>, %arg5: memref<36864x128xf32, #tpu.memory_space<hbm>>, %arg6: memref<3x96xi32, #tpu.memory_space<vmem>>, %arg7: memref<288x128xf32, #tpu.memory_space<vmem>>, %arg8: memref<!tpu.dma_semaphore, #tpu.memory_space<semaphore_mem>>) attributes {dimension_semantics = [#tpu.dimension_semantics<core_parallel>, #tpu.dimension_semantics<subcore_parallel>], iteration_bounds = array<i64: 2, 16>, scalar_prefetch = 0 : i64, scratch_operands = 3 : i64, tpu.core_type = #tpu.core_type<sc_vector_subcore>, window_params = [{transform_indices = #map}, {transform_indices = #map1}, {transform_indices = #map}, {transform_indices = #map}]} {
    %mul3A = arith.constant 2 : i32
    %mul3A_0 = arith.muli %arg1, %mul3A : i32
    %add3A = arith.addi %mul3A_0, %arg0 : i32
    "tpu.region"() ({
      %run_scoped3A = tpu.sem_alloc : memref<!tpu.dma_semaphore, #tpu.memory_space<semaphore_mem>>
      %dma_start3A_63 = arith.constant 0 : i32
      %dma_start3A_64 = arith.constant 0 : i32
      %dma_start3A_65 = tpu.memref_slice %arg3[%add3A, %dma_start3A_63, %dma_start3A_64] : memref<32x3x96xi32, #tpu.memory_space<hbm>> -> memref<1x3x96xi32, #tpu.memory_space<hbm>>
      %dma_start3A_66 = tpu.memref_squeeze %dma_start3A_65 : memref<1x3x96xi32, #tpu.memory_space<hbm>> -> memref<3x96xi32, #tpu.memory_space<hbm>>
      %dma_start3A_67 = arith.constant 0 : i32
      %dma_start3A_68 = arith.constant 0 : i32
      %dma_start3A_69 = tpu.memref_slice %arg3[%add3A, %dma_start3A_67, %dma_start3A_68] : memref<32x3x96xi32, #tpu.memory_space<hbm>> -> memref<1x3x96xi32, #tpu.memory_space<hbm>>
      %dma_start3A_70 = tpu.memref_squeeze %dma_start3A_69 : memref<1x3x96xi32, #tpu.memory_space<hbm>> -> memref<3x96xi32, #tpu.memory_space<hbm>>
      tpu.enqueue_dma source(%dma_start3A_70 : memref<3x96xi32, #tpu.memory_space<hbm>>) target(%arg6 : memref<3x96xi32, #tpu.memory_space<vmem>>) target_semaphore(%run_scoped3A : memref<!tpu.dma_semaphore, #tpu.memory_space<semaphore_mem>>)
      %dma_wait3A_71 = arith.constant 0 : i32
      %dma_wait3A_72 = arith.constant 0 : i32
      %dma_wait3A_73 = tpu.memref_slice %arg3[%add3A, %dma_wait3A_71, %dma_wait3A_72] : memref<32x3x96xi32, #tpu.memory_space<hbm>> -> memref<1x3x96xi32, #tpu.memory_space<hbm>>
      %dma_wait3A_74 = tpu.memref_squeeze %dma_wait3A_73 : memref<1x3x96xi32, #tpu.memory_space<hbm>> -> memref<3x96xi32, #tpu.memory_space<hbm>>
      %dma_wait3A_75 = arith.constant 0 : i32
      %dma_wait3A_76 = arith.constant 0 : i32
      %dma_wait3A_77 = tpu.memref_slice %arg3[%add3A, %dma_wait3A_75, %dma_wait3A_76] : memref<32x3x96xi32, #tpu.memory_space<hbm>> -> memref<1x3x96xi32, #tpu.memory_space<hbm>>
      %dma_wait3A_78 = tpu.memref_squeeze %dma_wait3A_77 : memref<1x3x96xi32, #tpu.memory_space<hbm>> -> memref<3x96xi32, #tpu.memory_space<hbm>>
      tpu.wait_dma2 semaphore(%run_scoped3A : memref<!tpu.dma_semaphore, #tpu.memory_space<semaphore_mem>>) src(%dma_wait3A_78 : memref<3x96xi32, #tpu.memory_space<hbm>>) dst(%arg6 : memref<3x96xi32, #tpu.memory_space<vmem>>)
      tpu.yield
    }) : () -> ()
    %dma_start3A = arith.constant 0 : i32
    %dma_start3A_1 = arith.constant 0 : i32
    %dma_start3A_2 = arith.constant 0 : i32
    %dma_start3A_3 = tpu.memref_slice %arg7[%dma_start3A_1, %dma_start3A_2] : memref<288x128xf32, #tpu.memory_space<vmem>> -> memref<96x128xf32, #tpu.memory_space<vmem>>
    %dma_start3A_4 = arith.constant 0 : i32
    %dma_start3A_5 = tpu.memref_slice %arg6[%dma_start3A, %dma_start3A_4] : memref<3x96xi32, #tpu.memory_space<vmem>> -> memref<1x96xi32, #tpu.memory_space<vmem>>
    %dma_start3A_6 = tpu.memref_squeeze %dma_start3A_5 : memref<1x96xi32, #tpu.memory_space<vmem>> -> memref<96xi32, #tpu.memory_space<vmem>>
    %dma_start3A_7 = arith.constant 0 : i32
    %dma_start3A_8 = arith.constant 0 : i32
    %dma_start3A_9 = tpu.memref_slice %arg2[%dma_start3A_7, %dma_start3A_8] : memref<1024x128xf32, #tpu.memory_space<hbm>> -> memref<1024x128xf32, #tpu.memory_space<hbm>>
    tpu.enqueue_indirect_dma source(%dma_start3A_9 : memref<1024x128xf32, #tpu.memory_space<hbm>>) target(%dma_start3A_3 : memref<96x128xf32, #tpu.memory_space<vmem>>) offsets(%dma_start3A_6 : memref<96xi32, #tpu.memory_space<vmem>>) semaphore(%arg8 : memref<!tpu.dma_semaphore, #tpu.memory_space<semaphore_mem>>)
    %dma_start3A_10 = arith.constant 1 : i32
    %dma_start3A_11 = arith.constant 96 : i32
    %dma_start3A_12 = arith.constant 0 : i32
    %dma_start3A_13 = tpu.memref_slice %arg7[%dma_start3A_11, %dma_start3A_12] : memref<288x128xf32, #tpu.memory_space<vmem>> -> memref<96x128xf32, #tpu.memory_space<vmem>>
    %dma_start3A_14 = arith.constant 0 : i32
    %dma_start3A_15 = tpu.memref_slice %arg6[%dma_start3A_10, %dma_start3A_14] : memref<3x96xi32, #tpu.memory_space<vmem>> -> memref<1x96xi32, #tpu.memory_space<vmem>>
    %dma_start3A_16 = tpu.memref_squeeze %dma_start3A_15 : memref<1x96xi32, #tpu.memory_space<vmem>> -> memref<96xi32, #tpu.memory_space<vmem>>
    %dma_start3A_17 = arith.constant 0 : i32
    %dma_start3A_18 = arith.constant 0 : i32
    %dma_start3A_19 = tpu.memref_slice %arg2[%dma_start3A_17, %dma_start3A_18] : memref<1024x128xf32, #tpu.memory_space<hbm>> -> memref<1024x128xf32, #tpu.memory_space<hbm>>
    tpu.enqueue_indirect_dma source(%dma_start3A_19 : memref<1024x128xf32, #tpu.memory_space<hbm>>) target(%dma_start3A_13 : memref<96x128xf32, #tpu.memory_space<vmem>>) offsets(%dma_start3A_16 : memref<96xi32, #tpu.memory_space<vmem>>) semaphore(%arg8 : memref<!tpu.dma_semaphore, #tpu.memory_space<semaphore_mem>>)
    %dma_start3A_20 = arith.constant 2 : i32
    %dma_start3A_21 = arith.constant 192 : i32
    %dma_start3A_22 = arith.constant 0 : i32
    %dma_start3A_23 = tpu.memref_slice %arg7[%dma_start3A_21, %dma_start3A_22] : memref<288x128xf32, #tpu.memory_space<vmem>> -> memref<96x128xf32, #tpu.memory_space<vmem>>
    %dma_start3A_24 = arith.constant 0 : i32
    %dma_start3A_25 = tpu.memref_slice %arg6[%dma_start3A_20, %dma_start3A_24] : memref<3x96xi32, #tpu.memory_space<vmem>> -> memref<1x96xi32, #tpu.memory_space<vmem>>
    %dma_start3A_26 = tpu.memref_squeeze %dma_start3A_25 : memref<1x96xi32, #tpu.memory_space<vmem>> -> memref<96xi32, #tpu.memory_space<vmem>>
    %dma_start3A_27 = arith.constant 0 : i32
    %dma_start3A_28 = arith.constant 0 : i32
    %dma_start3A_29 = tpu.memref_slice %arg2[%dma_start3A_27, %dma_start3A_28] : memref<1024x128xf32, #tpu.memory_space<hbm>> -> memref<1024x128xf32, #tpu.memory_space<hbm>>
    tpu.enqueue_indirect_dma source(%dma_start3A_29 : memref<1024x128xf32, #tpu.memory_space<hbm>>) target(%dma_start3A_23 : memref<96x128xf32, #tpu.memory_space<vmem>>) offsets(%dma_start3A_26 : memref<96xi32, #tpu.memory_space<vmem>>) semaphore(%arg8 : memref<!tpu.dma_semaphore, #tpu.memory_space<semaphore_mem>>)
    %dma_wait3A = arith.constant 0 : i32
    %dma_wait3A_30 = arith.constant 0 : i32
    %dma_wait3A_31 = arith.constant 0 : i32
    %dma_wait3A_32 = tpu.memref_slice %arg7[%dma_wait3A_30, %dma_wait3A_31] : memref<288x128xf32, #tpu.memory_space<vmem>> -> memref<96x128xf32, #tpu.memory_space<vmem>>
    %dma_wait3A_33 = arith.constant 0 : i32
    %dma_wait3A_34 = tpu.memref_slice %arg6[%dma_wait3A, %dma_wait3A_33] : memref<3x96xi32, #tpu.memory_space<vmem>> -> memref<1x96xi32, #tpu.memory_space<vmem>>
    %dma_wait3A_35 = tpu.memref_squeeze %dma_wait3A_34 : memref<1x96xi32, #tpu.memory_space<vmem>> -> memref<96xi32, #tpu.memory_space<vmem>>
    %dma_wait3A_36 = arith.constant 0 : i32
    %dma_wait3A_37 = arith.constant 0 : i32
    %dma_wait3A_38 = tpu.memref_slice %arg2[%dma_wait3A_36, %dma_wait3A_37] : memref<1024x128xf32, #tpu.memory_space<hbm>> -> memref<1024x128xf32, #tpu.memory_space<hbm>>
    tpu.wait_indirect_dma semaphore(%arg8 : memref<!tpu.dma_semaphore, #tpu.memory_space<semaphore_mem>>) src(%dma_wait3A_38 : memref<1024x128xf32, #tpu.memory_space<hbm>>) dst(%dma_wait3A_32 : memref<96x128xf32, #tpu.memory_space<vmem>>)
    %dma_wait3A_39 = arith.constant 1 : i32
    %dma_wait3A_40 = arith.constant 96 : i32
    %dma_wait3A_41 = arith.constant 0 : i32
    %dma_wait3A_42 = tpu.memref_slice %arg7[%dma_wait3A_40, %dma_wait3A_41] : memref<288x128xf32, #tpu.memory_space<vmem>> -> memref<96x128xf32, #tpu.memory_space<vmem>>
    %dma_wait3A_43 = arith.constant 0 : i32
    %dma_wait3A_44 = tpu.memref_slice %arg6[%dma_wait3A_39, %dma_wait3A_43] : memref<3x96xi32, #tpu.memory_space<vmem>> -> memref<1x96xi32, #tpu.memory_space<vmem>>
    %dma_wait3A_45 = tpu.memref_squeeze %dma_wait3A_44 : memref<1x96xi32, #tpu.memory_space<vmem>> -> memref<96xi32, #tpu.memory_space<vmem>>
    %dma_wait3A_46 = arith.constant 0 : i32
    %dma_wait3A_47 = arith.constant 0 : i32
    %dma_wait3A_48 = tpu.memref_slice %arg2[%dma_wait3A_46, %dma_wait3A_47] : memref<1024x128xf32, #tpu.memory_space<hbm>> -> memref<1024x128xf32, #tpu.memory_space<hbm>>
    tpu.wait_indirect_dma semaphore(%arg8 : memref<!tpu.dma_semaphore, #tpu.memory_space<semaphore_mem>>) src(%dma_wait3A_48 : memref<1024x128xf32, #tpu.memory_space<hbm>>) dst(%dma_wait3A_42 : memref<96x128xf32, #tpu.memory_space<vmem>>)
    %dma_wait3A_49 = arith.constant 2 : i32
    %dma_wait3A_50 = arith.constant 192 : i32
    %dma_wait3A_51 = arith.constant 0 : i32
    %dma_wait3A_52 = tpu.memref_slice %arg7[%dma_wait3A_50, %dma_wait3A_51] : memref<288x128xf32, #tpu.memory_space<vmem>> -> memref<96x128xf32, #tpu.memory_space<vmem>>
    %dma_wait3A_53 = arith.constant 0 : i32
    %dma_wait3A_54 = tpu.memref_slice %arg6[%dma_wait3A_49, %dma_wait3A_53] : memref<3x96xi32, #tpu.memory_space<vmem>> -> memref<1x96xi32, #tpu.memory_space<vmem>>
    %dma_wait3A_55 = tpu.memref_squeeze %dma_wait3A_54 : memref<1x96xi32, #tpu.memory_space<vmem>> -> memref<96xi32, #tpu.memory_space<vmem>>
    %dma_wait3A_56 = arith.constant 0 : i32
    %dma_wait3A_57 = arith.constant 0 : i32
    %dma_wait3A_58 = tpu.memref_slice %arg2[%dma_wait3A_56, %dma_wait3A_57] : memref<1024x128xf32, #tpu.memory_space<hbm>> -> memref<1024x128xf32, #tpu.memory_space<hbm>>
    tpu.wait_indirect_dma semaphore(%arg8 : memref<!tpu.dma_semaphore, #tpu.memory_space<semaphore_mem>>) src(%dma_wait3A_58 : memref<1024x128xf32, #tpu.memory_space<hbm>>) dst(%dma_wait3A_52 : memref<96x128xf32, #tpu.memory_space<vmem>>)
    %mul3A_59 = arith.constant 288 : i32
    %mul3A_60 = arith.muli %add3A, %mul3A_59 : i32
    %add3A_61 = arith.constant 11520 : i32
    %add3A_62 = arith.addi %add3A_61, %mul3A_60 : i32
    "tpu.region"() ({
      %run_scoped3A = tpu.sem_alloc : memref<!tpu.dma_semaphore, #tpu.memory_space<semaphore_mem>>
      %dma_start3A_63 = arith.constant 0 : i32
      %dma_start3A_64 = tpu.memref_slice %arg4[%add3A_62, %dma_start3A_63] : memref<36864x128xf32, #tpu.memory_space<hbm>> -> memref<288x128xf32, #tpu.memory_space<hbm>>
      %dma_start3A_65 = arith.constant 0 : i32
      %dma_start3A_66 = tpu.memref_slice %arg4[%add3A_62, %dma_start3A_65] : memref<36864x128xf32, #tpu.memory_space<hbm>> -> memref<288x128xf32, #tpu.memory_space<hbm>>
      tpu.enqueue_dma source(%arg7 : memref<288x128xf32, #tpu.memory_space<vmem>>) target(%dma_start3A_66 : memref<288x128xf32, #tpu.memory_space<hbm>>) target_semaphore(%run_scoped3A : memref<!tpu.dma_semaphore, #tpu.memory_space<semaphore_mem>>)
      %dma_wait3A_67 = arith.constant 0 : i32
      %dma_wait3A_68 = tpu.memref_slice %arg4[%add3A_62, %dma_wait3A_67] : memref<36864x128xf32, #tpu.memory_space<hbm>> -> memref<288x128xf32, #tpu.memory_space<hbm>>
      %dma_wait3A_69 = arith.constant 0 : i32
      %dma_wait3A_70 = tpu.memref_slice %arg4[%add3A_62, %dma_wait3A_69] : memref<36864x128xf32, #tpu.memory_space<hbm>> -> memref<288x128xf32, #tpu.memory_space<hbm>>
      tpu.wait_dma2 semaphore(%run_scoped3A : memref<!tpu.dma_semaphore, #tpu.memory_space<semaphore_mem>>) src(%arg7 : memref<288x128xf32, #tpu.memory_space<vmem>>) dst(%dma_wait3A_70 : memref<288x128xf32, #tpu.memory_space<hbm>>)
      tpu.yield
    }) : () -> ()
    return
  }
}

#map = affine_map<(d0, d1) -> (0, 0)>
#map1 = affine_map<(d0, d1) -> (0, 0, 0)>
module attributes {stable_mosaic.version = 14 : i64} {
  func.func @new_body(%arg0: i32, %arg1: i32, %arg2: memref<1024x128xf32, #tpu.memory_space<hbm>>, %arg3: memref<32x3x72xi32, #tpu.memory_space<hbm>>, %arg4: memref<36864x128xf32, #tpu.memory_space<hbm>>, %arg5: memref<36864x128xf32, #tpu.memory_space<hbm>>, %arg6: memref<3x72xi32, #tpu.memory_space<vmem>>, %arg7: memref<216x128xf32, #tpu.memory_space<vmem>>, %arg8: memref<!tpu.dma_semaphore, #tpu.memory_space<semaphore_mem>>) attributes {dimension_semantics = [#tpu.dimension_semantics<core_parallel>, #tpu.dimension_semantics<subcore_parallel>], iteration_bounds = array<i64: 2, 16>, scalar_prefetch = 0 : i64, scratch_operands = 3 : i64, tpu.core_type = #tpu.core_type<sc_vector_subcore>, window_params = [{transform_indices = #map}, {transform_indices = #map1}, {transform_indices = #map}, {transform_indices = #map}]} {
    %mul3A = arith.constant 2 : i32
    %mul3A_0 = arith.muli %arg1, %mul3A : i32
    %add3A = arith.addi %mul3A_0, %arg0 : i32
    "tpu.region"() ({
      %run_scoped3A = tpu.sem_alloc : memref<!tpu.dma_semaphore, #tpu.memory_space<semaphore_mem>>
      %dma_start3A_63 = arith.constant 0 : i32
      %dma_start3A_64 = arith.constant 0 : i32
      %dma_start3A_65 = tpu.memref_slice %arg3[%add3A, %dma_start3A_63, %dma_start3A_64] : memref<32x3x72xi32, #tpu.memory_space<hbm>> -> memref<1x3x72xi32, #tpu.memory_space<hbm>>
      %dma_start3A_66 = tpu.memref_squeeze %dma_start3A_65 : memref<1x3x72xi32, #tpu.memory_space<hbm>> -> memref<3x72xi32, #tpu.memory_space<hbm>>
      %dma_start3A_67 = arith.constant 0 : i32
      %dma_start3A_68 = arith.constant 0 : i32
      %dma_start3A_69 = tpu.memref_slice %arg3[%add3A, %dma_start3A_67, %dma_start3A_68] : memref<32x3x72xi32, #tpu.memory_space<hbm>> -> memref<1x3x72xi32, #tpu.memory_space<hbm>>
      %dma_start3A_70 = tpu.memref_squeeze %dma_start3A_69 : memref<1x3x72xi32, #tpu.memory_space<hbm>> -> memref<3x72xi32, #tpu.memory_space<hbm>>
      tpu.enqueue_dma source(%dma_start3A_70 : memref<3x72xi32, #tpu.memory_space<hbm>>) target(%arg6 : memref<3x72xi32, #tpu.memory_space<vmem>>) target_semaphore(%run_scoped3A : memref<!tpu.dma_semaphore, #tpu.memory_space<semaphore_mem>>)
      %dma_wait3A_71 = arith.constant 0 : i32
      %dma_wait3A_72 = arith.constant 0 : i32
      %dma_wait3A_73 = tpu.memref_slice %arg3[%add3A, %dma_wait3A_71, %dma_wait3A_72] : memref<32x3x72xi32, #tpu.memory_space<hbm>> -> memref<1x3x72xi32, #tpu.memory_space<hbm>>
      %dma_wait3A_74 = tpu.memref_squeeze %dma_wait3A_73 : memref<1x3x72xi32, #tpu.memory_space<hbm>> -> memref<3x72xi32, #tpu.memory_space<hbm>>
      %dma_wait3A_75 = arith.constant 0 : i32
      %dma_wait3A_76 = arith.constant 0 : i32
      %dma_wait3A_77 = tpu.memref_slice %arg3[%add3A, %dma_wait3A_75, %dma_wait3A_76] : memref<32x3x72xi32, #tpu.memory_space<hbm>> -> memref<1x3x72xi32, #tpu.memory_space<hbm>>
      %dma_wait3A_78 = tpu.memref_squeeze %dma_wait3A_77 : memref<1x3x72xi32, #tpu.memory_space<hbm>> -> memref<3x72xi32, #tpu.memory_space<hbm>>
      tpu.wait_dma2 semaphore(%run_scoped3A : memref<!tpu.dma_semaphore, #tpu.memory_space<semaphore_mem>>) src(%dma_wait3A_78 : memref<3x72xi32, #tpu.memory_space<hbm>>) dst(%arg6 : memref<3x72xi32, #tpu.memory_space<vmem>>)
      tpu.yield
    }) : () -> ()
    %dma_start3A = arith.constant 0 : i32
    %dma_start3A_1 = arith.constant 0 : i32
    %dma_start3A_2 = arith.constant 0 : i32
    %dma_start3A_3 = tpu.memref_slice %arg7[%dma_start3A_1, %dma_start3A_2] : memref<216x128xf32, #tpu.memory_space<vmem>> -> memref<72x128xf32, #tpu.memory_space<vmem>>
    %dma_start3A_4 = arith.constant 0 : i32
    %dma_start3A_5 = tpu.memref_slice %arg6[%dma_start3A, %dma_start3A_4] : memref<3x72xi32, #tpu.memory_space<vmem>> -> memref<1x72xi32, #tpu.memory_space<vmem>>
    %dma_start3A_6 = tpu.memref_squeeze %dma_start3A_5 : memref<1x72xi32, #tpu.memory_space<vmem>> -> memref<72xi32, #tpu.memory_space<vmem>>
    %dma_start3A_7 = arith.constant 0 : i32
    %dma_start3A_8 = arith.constant 0 : i32
    %dma_start3A_9 = tpu.memref_slice %arg2[%dma_start3A_7, %dma_start3A_8] : memref<1024x128xf32, #tpu.memory_space<hbm>> -> memref<1024x128xf32, #tpu.memory_space<hbm>>
    tpu.enqueue_indirect_dma source(%dma_start3A_9 : memref<1024x128xf32, #tpu.memory_space<hbm>>) target(%dma_start3A_3 : memref<72x128xf32, #tpu.memory_space<vmem>>) offsets(%dma_start3A_6 : memref<72xi32, #tpu.memory_space<vmem>>) semaphore(%arg8 : memref<!tpu.dma_semaphore, #tpu.memory_space<semaphore_mem>>)
    %dma_start3A_10 = arith.constant 1 : i32
    %dma_start3A_11 = arith.constant 72 : i32
    %dma_start3A_12 = arith.constant 0 : i32
    %dma_start3A_13 = tpu.memref_slice %arg7[%dma_start3A_11, %dma_start3A_12] : memref<216x128xf32, #tpu.memory_space<vmem>> -> memref<72x128xf32, #tpu.memory_space<vmem>>
    %dma_start3A_14 = arith.constant 0 : i32
    %dma_start3A_15 = tpu.memref_slice %arg6[%dma_start3A_10, %dma_start3A_14] : memref<3x72xi32, #tpu.memory_space<vmem>> -> memref<1x72xi32, #tpu.memory_space<vmem>>
    %dma_start3A_16 = tpu.memref_squeeze %dma_start3A_15 : memref<1x72xi32, #tpu.memory_space<vmem>> -> memref<72xi32, #tpu.memory_space<vmem>>
    %dma_start3A_17 = arith.constant 0 : i32
    %dma_start3A_18 = arith.constant 0 : i32
    %dma_start3A_19 = tpu.memref_slice %arg2[%dma_start3A_17, %dma_start3A_18] : memref<1024x128xf32, #tpu.memory_space<hbm>> -> memref<1024x128xf32, #tpu.memory_space<hbm>>
    tpu.enqueue_indirect_dma source(%dma_start3A_19 : memref<1024x128xf32, #tpu.memory_space<hbm>>) target(%dma_start3A_13 : memref<72x128xf32, #tpu.memory_space<vmem>>) offsets(%dma_start3A_16 : memref<72xi32, #tpu.memory_space<vmem>>) semaphore(%arg8 : memref<!tpu.dma_semaphore, #tpu.memory_space<semaphore_mem>>)
    %dma_start3A_20 = arith.constant 2 : i32
    %dma_start3A_21 = arith.constant 144 : i32
    %dma_start3A_22 = arith.constant 0 : i32
    %dma_start3A_23 = tpu.memref_slice %arg7[%dma_start3A_21, %dma_start3A_22] : memref<216x128xf32, #tpu.memory_space<vmem>> -> memref<72x128xf32, #tpu.memory_space<vmem>>
    %dma_start3A_24 = arith.constant 0 : i32
    %dma_start3A_25 = tpu.memref_slice %arg6[%dma_start3A_20, %dma_start3A_24] : memref<3x72xi32, #tpu.memory_space<vmem>> -> memref<1x72xi32, #tpu.memory_space<vmem>>
    %dma_start3A_26 = tpu.memref_squeeze %dma_start3A_25 : memref<1x72xi32, #tpu.memory_space<vmem>> -> memref<72xi32, #tpu.memory_space<vmem>>
    %dma_start3A_27 = arith.constant 0 : i32
    %dma_start3A_28 = arith.constant 0 : i32
    %dma_start3A_29 = tpu.memref_slice %arg2[%dma_start3A_27, %dma_start3A_28] : memref<1024x128xf32, #tpu.memory_space<hbm>> -> memref<1024x128xf32, #tpu.memory_space<hbm>>
    tpu.enqueue_indirect_dma source(%dma_start3A_29 : memref<1024x128xf32, #tpu.memory_space<hbm>>) target(%dma_start3A_23 : memref<72x128xf32, #tpu.memory_space<vmem>>) offsets(%dma_start3A_26 : memref<72xi32, #tpu.memory_space<vmem>>) semaphore(%arg8 : memref<!tpu.dma_semaphore, #tpu.memory_space<semaphore_mem>>)
    %dma_wait3A = arith.constant 0 : i32
    %dma_wait3A_30 = arith.constant 0 : i32
    %dma_wait3A_31 = arith.constant 0 : i32
    %dma_wait3A_32 = tpu.memref_slice %arg7[%dma_wait3A_30, %dma_wait3A_31] : memref<216x128xf32, #tpu.memory_space<vmem>> -> memref<72x128xf32, #tpu.memory_space<vmem>>
    %dma_wait3A_33 = arith.constant 0 : i32
    %dma_wait3A_34 = tpu.memref_slice %arg6[%dma_wait3A, %dma_wait3A_33] : memref<3x72xi32, #tpu.memory_space<vmem>> -> memref<1x72xi32, #tpu.memory_space<vmem>>
    %dma_wait3A_35 = tpu.memref_squeeze %dma_wait3A_34 : memref<1x72xi32, #tpu.memory_space<vmem>> -> memref<72xi32, #tpu.memory_space<vmem>>
    %dma_wait3A_36 = arith.constant 0 : i32
    %dma_wait3A_37 = arith.constant 0 : i32
    %dma_wait3A_38 = tpu.memref_slice %arg2[%dma_wait3A_36, %dma_wait3A_37] : memref<1024x128xf32, #tpu.memory_space<hbm>> -> memref<1024x128xf32, #tpu.memory_space<hbm>>
    tpu.wait_indirect_dma semaphore(%arg8 : memref<!tpu.dma_semaphore, #tpu.memory_space<semaphore_mem>>) src(%dma_wait3A_38 : memref<1024x128xf32, #tpu.memory_space<hbm>>) dst(%dma_wait3A_32 : memref<72x128xf32, #tpu.memory_space<vmem>>)
    %dma_wait3A_39 = arith.constant 1 : i32
    %dma_wait3A_40 = arith.constant 72 : i32
    %dma_wait3A_41 = arith.constant 0 : i32
    %dma_wait3A_42 = tpu.memref_slice %arg7[%dma_wait3A_40, %dma_wait3A_41] : memref<216x128xf32, #tpu.memory_space<vmem>> -> memref<72x128xf32, #tpu.memory_space<vmem>>
    %dma_wait3A_43 = arith.constant 0 : i32
    %dma_wait3A_44 = tpu.memref_slice %arg6[%dma_wait3A_39, %dma_wait3A_43] : memref<3x72xi32, #tpu.memory_space<vmem>> -> memref<1x72xi32, #tpu.memory_space<vmem>>
    %dma_wait3A_45 = tpu.memref_squeeze %dma_wait3A_44 : memref<1x72xi32, #tpu.memory_space<vmem>> -> memref<72xi32, #tpu.memory_space<vmem>>
    %dma_wait3A_46 = arith.constant 0 : i32
    %dma_wait3A_47 = arith.constant 0 : i32
    %dma_wait3A_48 = tpu.memref_slice %arg2[%dma_wait3A_46, %dma_wait3A_47] : memref<1024x128xf32, #tpu.memory_space<hbm>> -> memref<1024x128xf32, #tpu.memory_space<hbm>>
    tpu.wait_indirect_dma semaphore(%arg8 : memref<!tpu.dma_semaphore, #tpu.memory_space<semaphore_mem>>) src(%dma_wait3A_48 : memref<1024x128xf32, #tpu.memory_space<hbm>>) dst(%dma_wait3A_42 : memref<72x128xf32, #tpu.memory_space<vmem>>)
    %dma_wait3A_49 = arith.constant 2 : i32
    %dma_wait3A_50 = arith.constant 144 : i32
    %dma_wait3A_51 = arith.constant 0 : i32
    %dma_wait3A_52 = tpu.memref_slice %arg7[%dma_wait3A_50, %dma_wait3A_51] : memref<216x128xf32, #tpu.memory_space<vmem>> -> memref<72x128xf32, #tpu.memory_space<vmem>>
    %dma_wait3A_53 = arith.constant 0 : i32
    %dma_wait3A_54 = tpu.memref_slice %arg6[%dma_wait3A_49, %dma_wait3A_53] : memref<3x72xi32, #tpu.memory_space<vmem>> -> memref<1x72xi32, #tpu.memory_space<vmem>>
    %dma_wait3A_55 = tpu.memref_squeeze %dma_wait3A_54 : memref<1x72xi32, #tpu.memory_space<vmem>> -> memref<72xi32, #tpu.memory_space<vmem>>
    %dma_wait3A_56 = arith.constant 0 : i32
    %dma_wait3A_57 = arith.constant 0 : i32
    %dma_wait3A_58 = tpu.memref_slice %arg2[%dma_wait3A_56, %dma_wait3A_57] : memref<1024x128xf32, #tpu.memory_space<hbm>> -> memref<1024x128xf32, #tpu.memory_space<hbm>>
    tpu.wait_indirect_dma semaphore(%arg8 : memref<!tpu.dma_semaphore, #tpu.memory_space<semaphore_mem>>) src(%dma_wait3A_58 : memref<1024x128xf32, #tpu.memory_space<hbm>>) dst(%dma_wait3A_52 : memref<72x128xf32, #tpu.memory_space<vmem>>)
    %mul3A_59 = arith.constant 216 : i32
    %mul3A_60 = arith.muli %add3A, %mul3A_59 : i32
    %add3A_61 = arith.constant 29952 : i32
    %add3A_62 = arith.addi %add3A_61, %mul3A_60 : i32
    "tpu.region"() ({
      %run_scoped3A = tpu.sem_alloc : memref<!tpu.dma_semaphore, #tpu.memory_space<semaphore_mem>>
      %dma_start3A_63 = arith.constant 0 : i32
      %dma_start3A_64 = tpu.memref_slice %arg4[%add3A_62, %dma_start3A_63] : memref<36864x128xf32, #tpu.memory_space<hbm>> -> memref<216x128xf32, #tpu.memory_space<hbm>>
      %dma_start3A_65 = arith.constant 0 : i32
      %dma_start3A_66 = tpu.memref_slice %arg4[%add3A_62, %dma_start3A_65] : memref<36864x128xf32, #tpu.memory_space<hbm>> -> memref<216x128xf32, #tpu.memory_space<hbm>>
      tpu.enqueue_dma source(%arg7 : memref<216x128xf32, #tpu.memory_space<vmem>>) target(%dma_start3A_66 : memref<216x128xf32, #tpu.memory_space<hbm>>) target_semaphore(%run_scoped3A : memref<!tpu.dma_semaphore, #tpu.memory_space<semaphore_mem>>)
      %dma_wait3A_67 = arith.constant 0 : i32
      %dma_wait3A_68 = tpu.memref_slice %arg4[%add3A_62, %dma_wait3A_67] : memref<36864x128xf32, #tpu.memory_space<hbm>> -> memref<216x128xf32, #tpu.memory_space<hbm>>
      %dma_wait3A_69 = arith.constant 0 : i32
      %dma_wait3A_70 = tpu.memref_slice %arg4[%add3A_62, %dma_wait3A_69] : memref<36864x128xf32, #tpu.memory_space<hbm>> -> memref<216x128xf32, #tpu.memory_space<hbm>>
      tpu.wait_dma2 semaphore(%run_scoped3A : memref<!tpu.dma_semaphore, #tpu.memory_space<semaphore_mem>>) src(%arg7 : memref<216x128xf32, #tpu.memory_space<vmem>>) dst(%dma_wait3A_70 : memref<216x128xf32, #tpu.memory_space<hbm>>)
      tpu.yield
    }) : () -> ()
    return
  }
}

#map = affine_map<(d0, d1) -> (0, 0)>
#map1 = affine_map<(d0, d1) -> (0, 0, 0)>
module attributes {stable_mosaic.version = 14 : i64} {
  func.func @new_body(%arg0: i32, %arg1: i32, %arg2: memref<1024x128xf32, #tpu.memory_space<hbm>>, %arg3: memref<32x3x96xi32, #tpu.memory_space<hbm>>, %arg4: memref<36864x128xf32, #tpu.memory_space<hbm>>, %arg5: memref<36864x128xf32, #tpu.memory_space<hbm>>, %arg6: memref<3x96xi32, #tpu.memory_space<vmem>>, %arg7: memref<288x128xf32, #tpu.memory_space<vmem>>, %arg8: memref<!tpu.dma_semaphore, #tpu.memory_space<semaphore_mem>>) attributes {dimension_semantics = [#tpu.dimension_semantics<core_parallel>, #tpu.dimension_semantics<subcore_parallel>], iteration_bounds = array<i64: 2, 16>, scalar_prefetch = 0 : i64, scratch_operands = 3 : i64, tpu.core_type = #tpu.core_type<sc_vector_subcore>, window_params = [{transform_indices = #map}, {transform_indices = #map1}, {transform_indices = #map}, {transform_indices = #map}]} {
    %mul3A = arith.constant 2 : i32
    %mul3A_0 = arith.muli %arg1, %mul3A : i32
    %add3A = arith.addi %mul3A_0, %arg0 : i32
    "tpu.region"() ({
      %run_scoped3A = tpu.sem_alloc : memref<!tpu.dma_semaphore, #tpu.memory_space<semaphore_mem>>
      %dma_start3A_63 = arith.constant 0 : i32
      %dma_start3A_64 = arith.constant 0 : i32
      %dma_start3A_65 = tpu.memref_slice %arg3[%add3A, %dma_start3A_63, %dma_start3A_64] : memref<32x3x96xi32, #tpu.memory_space<hbm>> -> memref<1x3x96xi32, #tpu.memory_space<hbm>>
      %dma_start3A_66 = tpu.memref_squeeze %dma_start3A_65 : memref<1x3x96xi32, #tpu.memory_space<hbm>> -> memref<3x96xi32, #tpu.memory_space<hbm>>
      %dma_start3A_67 = arith.constant 0 : i32
      %dma_start3A_68 = arith.constant 0 : i32
      %dma_start3A_69 = tpu.memref_slice %arg3[%add3A, %dma_start3A_67, %dma_start3A_68] : memref<32x3x96xi32, #tpu.memory_space<hbm>> -> memref<1x3x96xi32, #tpu.memory_space<hbm>>
      %dma_start3A_70 = tpu.memref_squeeze %dma_start3A_69 : memref<1x3x96xi32, #tpu.memory_space<hbm>> -> memref<3x96xi32, #tpu.memory_space<hbm>>
      tpu.enqueue_dma source(%dma_start3A_70 : memref<3x96xi32, #tpu.memory_space<hbm>>) target(%arg6 : memref<3x96xi32, #tpu.memory_space<vmem>>) target_semaphore(%run_scoped3A : memref<!tpu.dma_semaphore, #tpu.memory_space<semaphore_mem>>)
      %dma_wait3A_71 = arith.constant 0 : i32
      %dma_wait3A_72 = arith.constant 0 : i32
      %dma_wait3A_73 = tpu.memref_slice %arg3[%add3A, %dma_wait3A_71, %dma_wait3A_72] : memref<32x3x96xi32, #tpu.memory_space<hbm>> -> memref<1x3x96xi32, #tpu.memory_space<hbm>>
      %dma_wait3A_74 = tpu.memref_squeeze %dma_wait3A_73 : memref<1x3x96xi32, #tpu.memory_space<hbm>> -> memref<3x96xi32, #tpu.memory_space<hbm>>
      %dma_wait3A_75 = arith.constant 0 : i32
      %dma_wait3A_76 = arith.constant 0 : i32
      %dma_wait3A_77 = tpu.memref_slice %arg3[%add3A, %dma_wait3A_75, %dma_wait3A_76] : memref<32x3x96xi32, #tpu.memory_space<hbm>> -> memref<1x3x96xi32, #tpu.memory_space<hbm>>
      %dma_wait3A_78 = tpu.memref_squeeze %dma_wait3A_77 : memref<1x3x96xi32, #tpu.memory_space<hbm>> -> memref<3x96xi32, #tpu.memory_space<hbm>>
      tpu.wait_dma2 semaphore(%run_scoped3A : memref<!tpu.dma_semaphore, #tpu.memory_space<semaphore_mem>>) src(%dma_wait3A_78 : memref<3x96xi32, #tpu.memory_space<hbm>>) dst(%arg6 : memref<3x96xi32, #tpu.memory_space<vmem>>)
      tpu.yield
    }) : () -> ()
    %dma_start3A = arith.constant 0 : i32
    %dma_start3A_1 = arith.constant 0 : i32
    %dma_start3A_2 = arith.constant 0 : i32
    %dma_start3A_3 = tpu.memref_slice %arg7[%dma_start3A_1, %dma_start3A_2] : memref<288x128xf32, #tpu.memory_space<vmem>> -> memref<96x128xf32, #tpu.memory_space<vmem>>
    %dma_start3A_4 = arith.constant 0 : i32
    %dma_start3A_5 = tpu.memref_slice %arg6[%dma_start3A, %dma_start3A_4] : memref<3x96xi32, #tpu.memory_space<vmem>> -> memref<1x96xi32, #tpu.memory_space<vmem>>
    %dma_start3A_6 = tpu.memref_squeeze %dma_start3A_5 : memref<1x96xi32, #tpu.memory_space<vmem>> -> memref<96xi32, #tpu.memory_space<vmem>>
    %dma_start3A_7 = arith.constant 0 : i32
    %dma_start3A_8 = arith.constant 0 : i32
    %dma_start3A_9 = tpu.memref_slice %arg2[%dma_start3A_7, %dma_start3A_8] : memref<1024x128xf32, #tpu.memory_space<hbm>> -> memref<1024x128xf32, #tpu.memory_space<hbm>>
    tpu.enqueue_indirect_dma source(%dma_start3A_9 : memref<1024x128xf32, #tpu.memory_space<hbm>>) target(%dma_start3A_3 : memref<96x128xf32, #tpu.memory_space<vmem>>) offsets(%dma_start3A_6 : memref<96xi32, #tpu.memory_space<vmem>>) semaphore(%arg8 : memref<!tpu.dma_semaphore, #tpu.memory_space<semaphore_mem>>)
    %dma_start3A_10 = arith.constant 1 : i32
    %dma_start3A_11 = arith.constant 96 : i32
    %dma_start3A_12 = arith.constant 0 : i32
    %dma_start3A_13 = tpu.memref_slice %arg7[%dma_start3A_11, %dma_start3A_12] : memref<288x128xf32, #tpu.memory_space<vmem>> -> memref<96x128xf32, #tpu.memory_space<vmem>>
    %dma_start3A_14 = arith.constant 0 : i32
    %dma_start3A_15 = tpu.memref_slice %arg6[%dma_start3A_10, %dma_start3A_14] : memref<3x96xi32, #tpu.memory_space<vmem>> -> memref<1x96xi32, #tpu.memory_space<vmem>>
    %dma_start3A_16 = tpu.memref_squeeze %dma_start3A_15 : memref<1x96xi32, #tpu.memory_space<vmem>> -> memref<96xi32, #tpu.memory_space<vmem>>
    %dma_start3A_17 = arith.constant 0 : i32
    %dma_start3A_18 = arith.constant 0 : i32
    %dma_start3A_19 = tpu.memref_slice %arg2[%dma_start3A_17, %dma_start3A_18] : memref<1024x128xf32, #tpu.memory_space<hbm>> -> memref<1024x128xf32, #tpu.memory_space<hbm>>
    tpu.enqueue_indirect_dma source(%dma_start3A_19 : memref<1024x128xf32, #tpu.memory_space<hbm>>) target(%dma_start3A_13 : memref<96x128xf32, #tpu.memory_space<vmem>>) offsets(%dma_start3A_16 : memref<96xi32, #tpu.memory_space<vmem>>) semaphore(%arg8 : memref<!tpu.dma_semaphore, #tpu.memory_space<semaphore_mem>>)
    %dma_start3A_20 = arith.constant 2 : i32
    %dma_start3A_21 = arith.constant 192 : i32
    %dma_start3A_22 = arith.constant 0 : i32
    %dma_start3A_23 = tpu.memref_slice %arg7[%dma_start3A_21, %dma_start3A_22] : memref<288x128xf32, #tpu.memory_space<vmem>> -> memref<96x128xf32, #tpu.memory_space<vmem>>
    %dma_start3A_24 = arith.constant 0 : i32
    %dma_start3A_25 = tpu.memref_slice %arg6[%dma_start3A_20, %dma_start3A_24] : memref<3x96xi32, #tpu.memory_space<vmem>> -> memref<1x96xi32, #tpu.memory_space<vmem>>
    %dma_start3A_26 = tpu.memref_squeeze %dma_start3A_25 : memref<1x96xi32, #tpu.memory_space<vmem>> -> memref<96xi32, #tpu.memory_space<vmem>>
    %dma_start3A_27 = arith.constant 0 : i32
    %dma_start3A_28 = arith.constant 0 : i32
    %dma_start3A_29 = tpu.memref_slice %arg2[%dma_start3A_27, %dma_start3A_28] : memref<1024x128xf32, #tpu.memory_space<hbm>> -> memref<1024x128xf32, #tpu.memory_space<hbm>>
    tpu.enqueue_indirect_dma source(%dma_start3A_29 : memref<1024x128xf32, #tpu.memory_space<hbm>>) target(%dma_start3A_23 : memref<96x128xf32, #tpu.memory_space<vmem>>) offsets(%dma_start3A_26 : memref<96xi32, #tpu.memory_space<vmem>>) semaphore(%arg8 : memref<!tpu.dma_semaphore, #tpu.memory_space<semaphore_mem>>)
    %dma_wait3A = arith.constant 0 : i32
    %dma_wait3A_30 = arith.constant 0 : i32
    %dma_wait3A_31 = arith.constant 0 : i32
    %dma_wait3A_32 = tpu.memref_slice %arg7[%dma_wait3A_30, %dma_wait3A_31] : memref<288x128xf32, #tpu.memory_space<vmem>> -> memref<96x128xf32, #tpu.memory_space<vmem>>
    %dma_wait3A_33 = arith.constant 0 : i32
    %dma_wait3A_34 = tpu.memref_slice %arg6[%dma_wait3A, %dma_wait3A_33] : memref<3x96xi32, #tpu.memory_space<vmem>> -> memref<1x96xi32, #tpu.memory_space<vmem>>
    %dma_wait3A_35 = tpu.memref_squeeze %dma_wait3A_34 : memref<1x96xi32, #tpu.memory_space<vmem>> -> memref<96xi32, #tpu.memory_space<vmem>>
    %dma_wait3A_36 = arith.constant 0 : i32
    %dma_wait3A_37 = arith.constant 0 : i32
    %dma_wait3A_38 = tpu.memref_slice %arg2[%dma_wait3A_36, %dma_wait3A_37] : memref<1024x128xf32, #tpu.memory_space<hbm>> -> memref<1024x128xf32, #tpu.memory_space<hbm>>
    tpu.wait_indirect_dma semaphore(%arg8 : memref<!tpu.dma_semaphore, #tpu.memory_space<semaphore_mem>>) src(%dma_wait3A_38 : memref<1024x128xf32, #tpu.memory_space<hbm>>) dst(%dma_wait3A_32 : memref<96x128xf32, #tpu.memory_space<vmem>>)
    %dma_wait3A_39 = arith.constant 1 : i32
    %dma_wait3A_40 = arith.constant 96 : i32
    %dma_wait3A_41 = arith.constant 0 : i32
    %dma_wait3A_42 = tpu.memref_slice %arg7[%dma_wait3A_40, %dma_wait3A_41] : memref<288x128xf32, #tpu.memory_space<vmem>> -> memref<96x128xf32, #tpu.memory_space<vmem>>
    %dma_wait3A_43 = arith.constant 0 : i32
    %dma_wait3A_44 = tpu.memref_slice %arg6[%dma_wait3A_39, %dma_wait3A_43] : memref<3x96xi32, #tpu.memory_space<vmem>> -> memref<1x96xi32, #tpu.memory_space<vmem>>
    %dma_wait3A_45 = tpu.memref_squeeze %dma_wait3A_44 : memref<1x96xi32, #tpu.memory_space<vmem>> -> memref<96xi32, #tpu.memory_space<vmem>>
    %dma_wait3A_46 = arith.constant 0 : i32
    %dma_wait3A_47 = arith.constant 0 : i32
    %dma_wait3A_48 = tpu.memref_slice %arg2[%dma_wait3A_46, %dma_wait3A_47] : memref<1024x128xf32, #tpu.memory_space<hbm>> -> memref<1024x128xf32, #tpu.memory_space<hbm>>
    tpu.wait_indirect_dma semaphore(%arg8 : memref<!tpu.dma_semaphore, #tpu.memory_space<semaphore_mem>>) src(%dma_wait3A_48 : memref<1024x128xf32, #tpu.memory_space<hbm>>) dst(%dma_wait3A_42 : memref<96x128xf32, #tpu.memory_space<vmem>>)
    %dma_wait3A_49 = arith.constant 2 : i32
    %dma_wait3A_50 = arith.constant 192 : i32
    %dma_wait3A_51 = arith.constant 0 : i32
    %dma_wait3A_52 = tpu.memref_slice %arg7[%dma_wait3A_50, %dma_wait3A_51] : memref<288x128xf32, #tpu.memory_space<vmem>> -> memref<96x128xf32, #tpu.memory_space<vmem>>
    %dma_wait3A_53 = arith.constant 0 : i32
    %dma_wait3A_54 = tpu.memref_slice %arg6[%dma_wait3A_49, %dma_wait3A_53] : memref<3x96xi32, #tpu.memory_space<vmem>> -> memref<1x96xi32, #tpu.memory_space<vmem>>
    %dma_wait3A_55 = tpu.memref_squeeze %dma_wait3A_54 : memref<1x96xi32, #tpu.memory_space<vmem>> -> memref<96xi32, #tpu.memory_space<vmem>>
    %dma_wait3A_56 = arith.constant 0 : i32
    %dma_wait3A_57 = arith.constant 0 : i32
    %dma_wait3A_58 = tpu.memref_slice %arg2[%dma_wait3A_56, %dma_wait3A_57] : memref<1024x128xf32, #tpu.memory_space<hbm>> -> memref<1024x128xf32, #tpu.memory_space<hbm>>
    tpu.wait_indirect_dma semaphore(%arg8 : memref<!tpu.dma_semaphore, #tpu.memory_space<semaphore_mem>>) src(%dma_wait3A_58 : memref<1024x128xf32, #tpu.memory_space<hbm>>) dst(%dma_wait3A_52 : memref<96x128xf32, #tpu.memory_space<vmem>>)
    %mul3A_59 = arith.constant 288 : i32
    %mul3A_60 = arith.muli %add3A, %mul3A_59 : i32
    %add3A_61 = arith.constant 20736 : i32
    %add3A_62 = arith.addi %add3A_61, %mul3A_60 : i32
    "tpu.region"() ({
      %run_scoped3A = tpu.sem_alloc : memref<!tpu.dma_semaphore, #tpu.memory_space<semaphore_mem>>
      %dma_start3A_63 = arith.constant 0 : i32
      %dma_start3A_64 = tpu.memref_slice %arg4[%add3A_62, %dma_start3A_63] : memref<36864x128xf32, #tpu.memory_space<hbm>> -> memref<288x128xf32, #tpu.memory_space<hbm>>
      %dma_start3A_65 = arith.constant 0 : i32
      %dma_start3A_66 = tpu.memref_slice %arg4[%add3A_62, %dma_start3A_65] : memref<36864x128xf32, #tpu.memory_space<hbm>> -> memref<288x128xf32, #tpu.memory_space<hbm>>
      tpu.enqueue_dma source(%arg7 : memref<288x128xf32, #tpu.memory_space<vmem>>) target(%dma_start3A_66 : memref<288x128xf32, #tpu.memory_space<hbm>>) target_semaphore(%run_scoped3A : memref<!tpu.dma_semaphore, #tpu.memory_space<semaphore_mem>>)
      %dma_wait3A_67 = arith.constant 0 : i32
      %dma_wait3A_68 = tpu.memref_slice %arg4[%add3A_62, %dma_wait3A_67] : memref<36864x128xf32, #tpu.memory_space<hbm>> -> memref<288x128xf32, #tpu.memory_space<hbm>>
      %dma_wait3A_69 = arith.constant 0 : i32
      %dma_wait3A_70 = tpu.memref_slice %arg4[%add3A_62, %dma_wait3A_69] : memref<36864x128xf32, #tpu.memory_space<hbm>> -> memref<288x128xf32, #tpu.memory_space<hbm>>
      tpu.wait_dma2 semaphore(%run_scoped3A : memref<!tpu.dma_semaphore, #tpu.memory_space<semaphore_mem>>) src(%arg7 : memref<288x128xf32, #tpu.memory_space<vmem>>) dst(%dma_wait3A_70 : memref<288x128xf32, #tpu.memory_space<hbm>>)
      tpu.yield
    }) : () -> ()
    return
  }
}

module attributes {stable_mosaic.version = 14 : i64} {
  func.func @_argmin_body(%arg0: i32, %arg1: memref<4x64x576xf32, #tpu.memory_space<vmem>>, %arg2: memref<64x1024xf32, #tpu.memory_space<vmem>>, %arg3: memref<1x1x2304xi32, #tpu.memory_space<vmem>>) attributes {dimension_semantics = [#tpu.dimension_semantics<arbitrary>], iteration_bounds = array<i64: 5>, scalar_prefetch = 0 : i64, scratch_operands = 0 : i64, tpu.core_type = #tpu.core_type<tc>, window_params = [{transform_indices = @transform_0, window_bounds = array<i64: 4, 64, 576>}, {pipeline_mode = #tpu.pipeline_mode<synchronous>, transform_indices = @transform_1, window_bounds = array<i64: 64, 1024>}, {transform_indices = @transform_2, window_bounds = array<i64: 1, 1, 2304>}]} {
    %get3A = arith.constant 0 : index
    %get3A_0 = arith.constant 0 : index
    %get3A_1 = vector.load %arg2[%get3A, %get3A_0] : memref<64x1024xf32, #tpu.memory_space<vmem>>, vector<64x1024xf32>
    %mul3A = arith.mulf %get3A_1, %get3A_1 : vector<64x1024xf32>
    %reduce_sum3A = arith.constant dense<0.000000e+00> : vector<1024xf32>
    %reduce_sum3A_2 = vector.multi_reduction <add>, %mul3A, %reduce_sum3A [0] : vector<64x1024xf32> to vector<1024xf32>
    %broadcast_in_dim3A = vector.shape_cast %reduce_sum3A_2 : vector<1024xf32> to vector<1024x1xf32>
    %iota3A = tpu.iota {dimensions = array<i32: 0>} : vector<1024x576xi32>
    %get3A_3 = arith.constant 0 : index
    %get3A_4 = arith.constant 0 : index
    %get3A_5 = arith.constant 0 : index
    %get3A_6 = vector.load %arg1[%get3A_3, %get3A_4, %get3A_5] : memref<4x64x576xf32, #tpu.memory_space<vmem>>, vector<1x64x576xf32>
    %get3A_7 = vector.shape_cast %get3A_6 : vector<1x64x576xf32> to vector<64x576xf32>
    %mul3A_8 = arith.mulf %get3A_7, %get3A_7 : vector<64x576xf32>
    %reduce_sum3A_9 = arith.constant dense<0.000000e+00> : vector<576xf32>
    %reduce_sum3A_10 = vector.multi_reduction <add>, %mul3A_8, %reduce_sum3A_9 [0] : vector<64x576xf32> to vector<576xf32>
    %broadcast_in_dim3A_11 = vector.shape_cast %reduce_sum3A_10 : vector<576xf32> to vector<1x576xf32>
    %dot_general3A = arith.constant dense<0.000000e+00> : vector<1024x576xf32>
    %dot_general3A_12 = tpu.matmul %get3A_1, %get3A_7, %dot_general3A {dimension_numbers = #tpu.dot_dimension_numbers<[0], [0], [1], [1], [0, 1, 1, 1], [], []>, transpose_lhs_hint = false} : vector<64x1024xf32>, vector<64x576xf32>, vector<1024x576xf32> -> vector<1024x576xf32>
    %mul3A_13 = arith.constant 2.000000e+00 : f32
    %mul3A_14 = vector.broadcast %mul3A_13 : f32 to vector<1024x576xf32>
    %mul3A_15 = arith.mulf %mul3A_14, %dot_general3A_12 : vector<1024x576xf32>
    %sub3A = vector.broadcast %broadcast_in_dim3A_11 : vector<1x576xf32> to vector<1024x576xf32>
    %sub3A_16 = arith.subf %sub3A, %mul3A_15 : vector<1024x576xf32>
    %add3A = vector.broadcast %broadcast_in_dim3A : vector<1024x1xf32> to vector<1024x576xf32>
    %add3A_17 = arith.addf %sub3A_16, %add3A : vector<1024x576xf32>
    %neg3A = arith.constant 0.000000e+00 : f32
    %neg3A_18 = vector.broadcast %neg3A : f32 to vector<1024x576xf32>
    %neg3A_19 = arith.subf %neg3A_18, %add3A_17 : vector<1024x576xf32>
    %reduce_max3A = arith.constant dense<0xFF800000> : vector<576xf32>
    %reduce_max3A_20 = vector.multi_reduction <maximumf>, %neg3A_19, %reduce_max3A [0] : vector<1024x576xf32> to vector<576xf32>
    %broadcast_in_dim3A_21 = vector.shape_cast %reduce_max3A_20 : vector<576xf32> to vector<1x576xf32>
    %eq3A = vector.broadcast %broadcast_in_dim3A_21 : vector<1x576xf32> to vector<1024x576xf32>
    %eq3A_22 = arith.cmpf oeq, %neg3A_19, %eq3A : vector<1024x576xf32>
    %jit3A = arith.constant 1073741824 : i32
    %broadcast_in_dim3A_23 = vector.broadcast %jit3A : i32 to vector<1024x576xi32>
    %select_n3A = arith.select %eq3A_22, %iota3A, %broadcast_in_dim3A_23 : vector<1024x576xi1>, vector<1024x576xi32>
    %reduce_min3A = arith.constant dense<2147483647> : vector<576xi32>
    %reduce_min3A_24 = vector.multi_reduction <minsi>, %select_n3A, %reduce_min3A [0] : vector<1024x576xi32> to vector<576xi32>
    %swap3A = arith.constant 0 : index
    %swap3A_25 = arith.constant 0 : index
    %swap3A_26 = arith.constant 0 : index
    %swap3A_27 = vector.load %arg3[%swap3A, %swap3A_25, %swap3A_26] : memref<1x1x2304xi32, #tpu.memory_space<vmem>>, vector<1x1x576xi32>
    %swap3A_28 = vector.shape_cast %swap3A_27 : vector<1x1x576xi32> to vector<576xi32>
    %swap3A_29 = vector.shape_cast %reduce_min3A_24 : vector<576xi32> to vector<1x1x576xi32>
    tpu.vector_store %arg3[%swap3A, %swap3A_25, %swap3A_26], %swap3A_29 {strides = array<i32>} : memref<1x1x2304xi32, #tpu.memory_space<vmem>>, vector<1x1x576xi32>,
    %get3A_30 = arith.constant 1 : index
    %get3A_31 = arith.constant 0 : index
    %get3A_32 = arith.constant 0 : index
    %get3A_33 = vector.load %arg1[%get3A_30, %get3A_31, %get3A_32] : memref<4x64x576xf32, #tpu.memory_space<vmem>>, vector<1x64x576xf32>
    %get3A_34 = vector.shape_cast %get3A_33 : vector<1x64x576xf32> to vector<64x576xf32>
    %mul3A_35 = arith.mulf %get3A_34, %get3A_34 : vector<64x576xf32>
    %reduce_sum3A_36 = arith.constant dense<0.000000e+00> : vector<576xf32>
    %reduce_sum3A_37 = vector.multi_reduction <add>, %mul3A_35, %reduce_sum3A_36 [0] : vector<64x576xf32> to vector<576xf32>
    %broadcast_in_dim3A_38 = vector.shape_cast %reduce_sum3A_37 : vector<576xf32> to vector<1x576xf32>
    %dot_general3A_39 = arith.constant dense<0.000000e+00> : vector<1024x576xf32>
    %dot_general3A_40 = tpu.matmul %get3A_1, %get3A_34, %dot_general3A_39 {dimension_numbers = #tpu.dot_dimension_numbers<[0], [0], [1], [1], [0, 1, 1, 1], [], []>, transpose_lhs_hint = false} : vector<64x1024xf32>, vector<64x576xf32>, vector<1024x576xf32> -> vector<1024x576xf32>
    %mul3A_41 = arith.constant 2.000000e+00 : f32
    %mul3A_42 = vector.broadcast %mul3A_41 : f32 to vector<1024x576xf32>
    %mul3A_43 = arith.mulf %mul3A_42, %dot_general3A_40 : vector<1024x576xf32>
    %sub3A_44 = vector.broadcast %broadcast_in_dim3A_38 : vector<1x576xf32> to vector<1024x576xf32>
    %sub3A_45 = arith.subf %sub3A_44, %mul3A_43 : vector<1024x576xf32>
    %add3A_46 = vector.broadcast %broadcast_in_dim3A : vector<1024x1xf32> to vector<1024x576xf32>
    %add3A_47 = arith.addf %sub3A_45, %add3A_46 : vector<1024x576xf32>
    %neg3A_48 = arith.constant 0.000000e+00 : f32
    %neg3A_49 = vector.broadcast %neg3A_48 : f32 to vector<1024x576xf32>
    %neg3A_50 = arith.subf %neg3A_49, %add3A_47 : vector<1024x576xf32>
    %reduce_max3A_51 = arith.constant dense<0xFF800000> : vector<576xf32>
    %reduce_max3A_52 = vector.multi_reduction <maximumf>, %neg3A_50, %reduce_max3A_51 [0] : vector<1024x576xf32> to vector<576xf32>
    %broadcast_in_dim3A_53 = vector.shape_cast %reduce_max3A_52 : vector<576xf32> to vector<1x576xf32>
    %eq3A_54 = vector.broadcast %broadcast_in_dim3A_53 : vector<1x576xf32> to vector<1024x576xf32>
    %eq3A_55 = arith.cmpf oeq, %neg3A_50, %eq3A_54 : vector<1024x576xf32>
    %jit3A_56 = arith.constant 1073741824 : i32
    %broadcast_in_dim3A_57 = vector.broadcast %jit3A_56 : i32 to vector<1024x576xi32>
    %select_n3A_58 = arith.select %eq3A_55, %iota3A, %broadcast_in_dim3A_57 : vector<1024x576xi1>, vector<1024x576xi32>
    %reduce_min3A_59 = arith.constant dense<2147483647> : vector<576xi32>
    %reduce_min3A_60 = vector.multi_reduction <minsi>, %select_n3A_58, %reduce_min3A_59 [0] : vector<1024x576xi32> to vector<576xi32>
    %swap3A_61 = arith.constant 0 : index
    %swap3A_62 = arith.constant 0 : index
    %swap3A_63 = arith.constant 576 : index
    %swap3A_64 = vector.load %arg3[%swap3A_61, %swap3A_62, %swap3A_63] : memref<1x1x2304xi32, #tpu.memory_space<vmem>>, vector<1x1x576xi32>
    %swap3A_65 = vector.shape_cast %swap3A_64 : vector<1x1x576xi32> to vector<576xi32>
    %swap3A_66 = vector.shape_cast %reduce_min3A_60 : vector<576xi32> to vector<1x1x576xi32>
    tpu.vector_store %arg3[%swap3A_61, %swap3A_62, %swap3A_63], %swap3A_66 {strides = array<i32>} : memref<1x1x2304xi32, #tpu.memory_space<vmem>>, vector<1x1x576xi32>,
    %get3A_67 = arith.constant 2 : index
    %get3A_68 = arith.constant 0 : index
    %get3A_69 = arith.constant 0 : index
    %get3A_70 = vector.load %arg1[%get3A_67, %get3A_68, %get3A_69] : memref<4x64x576xf32, #tpu.memory_space<vmem>>, vector<1x64x576xf32>
    %get3A_71 = vector.shape_cast %get3A_70 : vector<1x64x576xf32> to vector<64x576xf32>
    %mul3A_72 = arith.mulf %get3A_71, %get3A_71 : vector<64x576xf32>
    %reduce_sum3A_73 = arith.constant dense<0.000000e+00> : vector<576xf32>
    %reduce_sum3A_74 = vector.multi_reduction <add>, %mul3A_72, %reduce_sum3A_73 [0] : vector<64x576xf32> to vector<576xf32>
    %broadcast_in_dim3A_75 = vector.shape_cast %reduce_sum3A_74 : vector<576xf32> to vector<1x576xf32>
    %dot_general3A_76 = arith.constant dense<0.000000e+00> : vector<1024x576xf32>
    %dot_general3A_77 = tpu.matmul %get3A_1, %get3A_71, %dot_general3A_76 {dimension_numbers = #tpu.dot_dimension_numbers<[0], [0], [1], [1], [0, 1, 1, 1], [], []>, transpose_lhs_hint = false} : vector<64x1024xf32>, vector<64x576xf32>, vector<1024x576xf32> -> vector<1024x576xf32>
    %mul3A_78 = arith.constant 2.000000e+00 : f32
    %mul3A_79 = vector.broadcast %mul3A_78 : f32 to vector<1024x576xf32>
    %mul3A_80 = arith.mulf %mul3A_79, %dot_general3A_77 : vector<1024x576xf32>
    %sub3A_81 = vector.broadcast %broadcast_in_dim3A_75 : vector<1x576xf32> to vector<1024x576xf32>
    %sub3A_82 = arith.subf %sub3A_81, %mul3A_80 : vector<1024x576xf32>
    %add3A_83 = vector.broadcast %broadcast_in_dim3A : vector<1024x1xf32> to vector<1024x576xf32>
    %add3A_84 = arith.addf %sub3A_82, %add3A_83 : vector<1024x576xf32>
    %neg3A_85 = arith.constant 0.000000e+00 : f32
    %neg3A_86 = vector.broadcast %neg3A_85 : f32 to vector<1024x576xf32>
    %neg3A_87 = arith.subf %neg3A_86, %add3A_84 : vector<1024x576xf32>
    %reduce_max3A_88 = arith.constant dense<0xFF800000> : vector<576xf32>
    %reduce_max3A_89 = vector.multi_reduction <maximumf>, %neg3A_87, %reduce_max3A_88 [0] : vector<1024x576xf32> to vector<576xf32>
    %broadcast_in_dim3A_90 = vector.shape_cast %reduce_max3A_89 : vector<576xf32> to vector<1x576xf32>
    %eq3A_91 = vector.broadcast %broadcast_in_dim3A_90 : vector<1x576xf32> to vector<1024x576xf32>
    %eq3A_92 = arith.cmpf oeq, %neg3A_87, %eq3A_91 : vector<1024x576xf32>
    %jit3A_93 = arith.constant 1073741824 : i32
    %broadcast_in_dim3A_94 = vector.broadcast %jit3A_93 : i32 to vector<1024x576xi32>
    %select_n3A_95 = arith.select %eq3A_92, %iota3A, %broadcast_in_dim3A_94 : vector<1024x576xi1>, vector<1024x576xi32>
    %reduce_min3A_96 = arith.constant dense<2147483647> : vector<576xi32>
    %reduce_min3A_97 = vector.multi_reduction <minsi>, %select_n3A_95, %reduce_min3A_96 [0] : vector<1024x576xi32> to vector<576xi32>
    %swap3A_98 = arith.constant 0 : index
    %swap3A_99 = arith.constant 0 : index
    %swap3A_100 = arith.constant 1152 : index
    %swap3A_101 = vector.load %arg3[%swap3A_98, %swap3A_99, %swap3A_100] : memref<1x1x2304xi32, #tpu.memory_space<vmem>>, vector<1x1x576xi32>
    %swap3A_102 = vector.shape_cast %swap3A_101 : vector<1x1x576xi32> to vector<576xi32>
    %swap3A_103 = vector.shape_cast %reduce_min3A_97 : vector<576xi32> to vector<1x1x576xi32>
    tpu.vector_store %arg3[%swap3A_98, %swap3A_99, %swap3A_100], %swap3A_103 {strides = array<i32>} : memref<1x1x2304xi32, #tpu.memory_space<vmem>>, vector<1x1x576xi32>,
    %get3A_104 = arith.constant 3 : index
    %get3A_105 = arith.constant 0 : index
    %get3A_106 = arith.constant 0 : index
    %get3A_107 = vector.load %arg1[%get3A_104, %get3A_105, %get3A_106] : memref<4x64x576xf32, #tpu.memory_space<vmem>>, vector<1x64x576xf32>
    %get3A_108 = vector.shape_cast %get3A_107 : vector<1x64x576xf32> to vector<64x576xf32>
    %mul3A_109 = arith.mulf %get3A_108, %get3A_108 : vector<64x576xf32>
    %reduce_sum3A_110 = arith.constant dense<0.000000e+00> : vector<576xf32>
    %reduce_sum3A_111 = vector.multi_reduction <add>, %mul3A_109, %reduce_sum3A_110 [0] : vector<64x576xf32> to vector<576xf32>
    %broadcast_in_dim3A_112 = vector.shape_cast %reduce_sum3A_111 : vector<576xf32> to vector<1x576xf32>
    %dot_general3A_113 = arith.constant dense<0.000000e+00> : vector<1024x576xf32>
    %dot_general3A_114 = tpu.matmul %get3A_1, %get3A_108, %dot_general3A_113 {dimension_numbers = #tpu.dot_dimension_numbers<[0], [0], [1], [1], [0, 1, 1, 1], [], []>, transpose_lhs_hint = false} : vector<64x1024xf32>, vector<64x576xf32>, vector<1024x576xf32> -> vector<1024x576xf32>
    %mul3A_115 = arith.constant 2.000000e+00 : f32
    %mul3A_116 = vector.broadcast %mul3A_115 : f32 to vector<1024x576xf32>
    %mul3A_117 = arith.mulf %mul3A_116, %dot_general3A_114 : vector<1024x576xf32>
    %sub3A_118 = vector.broadcast %broadcast_in_dim3A_112 : vector<1x576xf32> to vector<1024x576xf32>
    %sub3A_119 = arith.subf %sub3A_118, %mul3A_117 : vector<1024x576xf32>
    %add3A_120 = vector.broadcast %broadcast_in_dim3A : vector<1024x1xf32> to vector<1024x576xf32>
    %add3A_121 = arith.addf %sub3A_119, %add3A_120 : vector<1024x576xf32>
    %neg3A_122 = arith.constant 0.000000e+00 : f32
    %neg3A_123 = vector.broadcast %neg3A_122 : f32 to vector<1024x576xf32>
    %neg3A_124 = arith.subf %neg3A_123, %add3A_121 : vector<1024x576xf32>
    %reduce_max3A_125 = arith.constant dense<0xFF800000> : vector<576xf32>
    %reduce_max3A_126 = vector.multi_reduction <maximumf>, %neg3A_124, %reduce_max3A_125 [0] : vector<1024x576xf32> to vector<576xf32>
    %broadcast_in_dim3A_127 = vector.shape_cast %reduce_max3A_126 : vector<576xf32> to vector<1x576xf32>
    %eq3A_128 = vector.broadcast %broadcast_in_dim3A_127 : vector<1x576xf32> to vector<1024x576xf32>
    %eq3A_129 = arith.cmpf oeq, %neg3A_124, %eq3A_128 : vector<1024x576xf32>
    %jit3A_130 = arith.constant 1073741824 : i32
    %broadcast_in_dim3A_131 = vector.broadcast %jit3A_130 : i32 to vector<1024x576xi32>
    %select_n3A_132 = arith.select %eq3A_129, %iota3A, %broadcast_in_dim3A_131 : vector<1024x576xi1>, vector<1024x576xi32>
    %reduce_min3A_133 = arith.constant dense<2147483647> : vector<576xi32>
    %reduce_min3A_134 = vector.multi_reduction <minsi>, %select_n3A_132, %reduce_min3A_133 [0] : vector<1024x576xi32> to vector<576xi32>
    %swap3A_135 = arith.constant 0 : index
    %swap3A_136 = arith.constant 0 : index
    %swap3A_137 = arith.constant 1728 : index
    %swap3A_138 = vector.load %arg3[%swap3A_135, %swap3A_136, %swap3A_137] : memref<1x1x2304xi32, #tpu.memory_space<vmem>>, vector<1x1x576xi32>
    %swap3A_139 = vector.shape_cast %swap3A_138 : vector<1x1x576xi32> to vector<576xi32>
    %swap3A_140 = vector.shape_cast %reduce_min3A_134 : vector<576xi32> to vector<1x1x576xi32>
    tpu.vector_store %arg3[%swap3A_135, %swap3A_136, %swap3A_137], %swap3A_140 {strides = array<i32>} : memref<1x1x2304xi32, #tpu.memory_space<vmem>>, vector<1x1x576xi32>,
    return
  }
  func.func @transform_0(%arg0: i32) -> (i32, i32, i32) {
    %add3A = arith.constant 0 : i32
    %add3A_0 = arith.addi %arg0, %add3A : i32
    %c0_i32 = arith.constant 0 : i32
    %c0_i32_1 = arith.constant 0 : i32
    %c0_i32_2 = arith.constant 0 : i32
    return %add3A_0, %c0_i32, %c0_i32_1 : i32, i32, i32
  }
  func.func @transform_1(%arg0: i32) -> (i32, i32) {
    %c0_i32 = arith.constant 0 : i32
    %c0_i32_0 = arith.constant 0 : i32
    %c0_i32_1 = arith.constant 0 : i32
    return %c0_i32, %c0_i32_0 : i32, i32
  }
  func.func @transform_2(%arg0: i32) -> (i32, i32, i32) {
    %c0_i32 = arith.constant 0 : i32
    %c0_i32_0 = arith.constant 0 : i32
    %c0_i32_1 = arith.constant 0 : i32
    return %arg0, %c0_i32, %c0_i32_0 : i32, i32, i32
  }
}

module attributes {stable_mosaic.version = 14 : i64} {
  func.func @_argmin_body(%arg0: i32, %arg1: memref<4x64x576xf32, #tpu.memory_space<vmem>>, %arg2: memref<64x1024xf32, #tpu.memory_space<vmem>>, %arg3: memref<1x1x2304xi32, #tpu.memory_space<vmem>>) attributes {dimension_semantics = [#tpu.dimension_semantics<arbitrary>], iteration_bounds = array<i64: 4>, scalar_prefetch = 0 : i64, scratch_operands = 0 : i64, tpu.core_type = #tpu.core_type<tc>, window_params = [{transform_indices = @transform_0, window_bounds = array<i64: 4, 64, 576>}, {pipeline_mode = #tpu.pipeline_mode<synchronous>, transform_indices = @transform_1, window_bounds = array<i64: 64, 1024>}, {transform_indices = @transform_2, window_bounds = array<i64: 1, 1, 2304>}]} {
    %get3A = arith.constant 0 : index
    %get3A_0 = arith.constant 0 : index
    %get3A_1 = vector.load %arg2[%get3A, %get3A_0] : memref<64x1024xf32, #tpu.memory_space<vmem>>, vector<64x1024xf32>
    %mul3A = arith.mulf %get3A_1, %get3A_1 : vector<64x1024xf32>
    %reduce_sum3A = arith.constant dense<0.000000e+00> : vector<1024xf32>
    %reduce_sum3A_2 = vector.multi_reduction <add>, %mul3A, %reduce_sum3A [0] : vector<64x1024xf32> to vector<1024xf32>
    %broadcast_in_dim3A = vector.shape_cast %reduce_sum3A_2 : vector<1024xf32> to vector<1024x1xf32>
    %iota3A = tpu.iota {dimensions = array<i32: 0>} : vector<1024x576xi32>
    %get3A_3 = arith.constant 0 : index
    %get3A_4 = arith.constant 0 : index
    %get3A_5 = arith.constant 0 : index
    %get3A_6 = vector.load %arg1[%get3A_3, %get3A_4, %get3A_5] : memref<4x64x576xf32, #tpu.memory_space<vmem>>, vector<1x64x576xf32>
    %get3A_7 = vector.shape_cast %get3A_6 : vector<1x64x576xf32> to vector<64x576xf32>
    %mul3A_8 = arith.mulf %get3A_7, %get3A_7 : vector<64x576xf32>
    %reduce_sum3A_9 = arith.constant dense<0.000000e+00> : vector<576xf32>
    %reduce_sum3A_10 = vector.multi_reduction <add>, %mul3A_8, %reduce_sum3A_9 [0] : vector<64x576xf32> to vector<576xf32>
    %broadcast_in_dim3A_11 = vector.shape_cast %reduce_sum3A_10 : vector<576xf32> to vector<1x576xf32>
    %dot_general3A = arith.constant dense<0.000000e+00> : vector<1024x576xf32>
    %dot_general3A_12 = tpu.matmul %get3A_1, %get3A_7, %dot_general3A {dimension_numbers = #tpu.dot_dimension_numbers<[0], [0], [1], [1], [0, 1, 1, 1], [], []>, transpose_lhs_hint = false} : vector<64x1024xf32>, vector<64x576xf32>, vector<1024x576xf32> -> vector<1024x576xf32>
    %mul3A_13 = arith.constant 2.000000e+00 : f32
    %mul3A_14 = vector.broadcast %mul3A_13 : f32 to vector<1024x576xf32>
    %mul3A_15 = arith.mulf %mul3A_14, %dot_general3A_12 : vector<1024x576xf32>
    %sub3A = vector.broadcast %broadcast_in_dim3A_11 : vector<1x576xf32> to vector<1024x576xf32>
    %sub3A_16 = arith.subf %sub3A, %mul3A_15 : vector<1024x576xf32>
    %add3A = vector.broadcast %broadcast_in_dim3A : vector<1024x1xf32> to vector<1024x576xf32>
    %add3A_17 = arith.addf %sub3A_16, %add3A : vector<1024x576xf32>
    %neg3A = arith.constant 0.000000e+00 : f32
    %neg3A_18 = vector.broadcast %neg3A : f32 to vector<1024x576xf32>
    %neg3A_19 = arith.subf %neg3A_18, %add3A_17 : vector<1024x576xf32>
    %reduce_max3A = arith.constant dense<0xFF800000> : vector<576xf32>
    %reduce_max3A_20 = vector.multi_reduction <maximumf>, %neg3A_19, %reduce_max3A [0] : vector<1024x576xf32> to vector<576xf32>
    %broadcast_in_dim3A_21 = vector.shape_cast %reduce_max3A_20 : vector<576xf32> to vector<1x576xf32>
    %eq3A = vector.broadcast %broadcast_in_dim3A_21 : vector<1x576xf32> to vector<1024x576xf32>
    %eq3A_22 = arith.cmpf oeq, %neg3A_19, %eq3A : vector<1024x576xf32>
    %jit3A = arith.constant 1073741824 : i32
    %broadcast_in_dim3A_23 = vector.broadcast %jit3A : i32 to vector<1024x576xi32>
    %select_n3A = arith.select %eq3A_22, %iota3A, %broadcast_in_dim3A_23 : vector<1024x576xi1>, vector<1024x576xi32>
    %reduce_min3A = arith.constant dense<2147483647> : vector<576xi32>
    %reduce_min3A_24 = vector.multi_reduction <minsi>, %select_n3A, %reduce_min3A [0] : vector<1024x576xi32> to vector<576xi32>
    %swap3A = arith.constant 0 : index
    %swap3A_25 = arith.constant 0 : index
    %swap3A_26 = arith.constant 0 : index
    %swap3A_27 = vector.load %arg3[%swap3A, %swap3A_25, %swap3A_26] : memref<1x1x2304xi32, #tpu.memory_space<vmem>>, vector<1x1x576xi32>
    %swap3A_28 = vector.shape_cast %swap3A_27 : vector<1x1x576xi32> to vector<576xi32>
    %swap3A_29 = vector.shape_cast %reduce_min3A_24 : vector<576xi32> to vector<1x1x576xi32>
    tpu.vector_store %arg3[%swap3A, %swap3A_25, %swap3A_26], %swap3A_29 {strides = array<i32>} : memref<1x1x2304xi32, #tpu.memory_space<vmem>>, vector<1x1x576xi32>,
    %get3A_30 = arith.constant 1 : index
    %get3A_31 = arith.constant 0 : index
    %get3A_32 = arith.constant 0 : index
    %get3A_33 = vector.load %arg1[%get3A_30, %get3A_31, %get3A_32] : memref<4x64x576xf32, #tpu.memory_space<vmem>>, vector<1x64x576xf32>
    %get3A_34 = vector.shape_cast %get3A_33 : vector<1x64x576xf32> to vector<64x576xf32>
    %mul3A_35 = arith.mulf %get3A_34, %get3A_34 : vector<64x576xf32>
    %reduce_sum3A_36 = arith.constant dense<0.000000e+00> : vector<576xf32>
    %reduce_sum3A_37 = vector.multi_reduction <add>, %mul3A_35, %reduce_sum3A_36 [0] : vector<64x576xf32> to vector<576xf32>
    %broadcast_in_dim3A_38 = vector.shape_cast %reduce_sum3A_37 : vector<576xf32> to vector<1x576xf32>
    %dot_general3A_39 = arith.constant dense<0.000000e+00> : vector<1024x576xf32>
    %dot_general3A_40 = tpu.matmul %get3A_1, %get3A_34, %dot_general3A_39 {dimension_numbers = #tpu.dot_dimension_numbers<[0], [0], [1], [1], [0, 1, 1, 1], [], []>, transpose_lhs_hint = false} : vector<64x1024xf32>, vector<64x576xf32>, vector<1024x576xf32> -> vector<1024x576xf32>
    %mul3A_41 = arith.constant 2.000000e+00 : f32
    %mul3A_42 = vector.broadcast %mul3A_41 : f32 to vector<1024x576xf32>
    %mul3A_43 = arith.mulf %mul3A_42, %dot_general3A_40 : vector<1024x576xf32>
    %sub3A_44 = vector.broadcast %broadcast_in_dim3A_38 : vector<1x576xf32> to vector<1024x576xf32>
    %sub3A_45 = arith.subf %sub3A_44, %mul3A_43 : vector<1024x576xf32>
    %add3A_46 = vector.broadcast %broadcast_in_dim3A : vector<1024x1xf32> to vector<1024x576xf32>
    %add3A_47 = arith.addf %sub3A_45, %add3A_46 : vector<1024x576xf32>
    %neg3A_48 = arith.constant 0.000000e+00 : f32
    %neg3A_49 = vector.broadcast %neg3A_48 : f32 to vector<1024x576xf32>
    %neg3A_50 = arith.subf %neg3A_49, %add3A_47 : vector<1024x576xf32>
    %reduce_max3A_51 = arith.constant dense<0xFF800000> : vector<576xf32>
    %reduce_max3A_52 = vector.multi_reduction <maximumf>, %neg3A_50, %reduce_max3A_51 [0] : vector<1024x576xf32> to vector<576xf32>
    %broadcast_in_dim3A_53 = vector.shape_cast %reduce_max3A_52 : vector<576xf32> to vector<1x576xf32>
    %eq3A_54 = vector.broadcast %broadcast_in_dim3A_53 : vector<1x576xf32> to vector<1024x576xf32>
    %eq3A_55 = arith.cmpf oeq, %neg3A_50, %eq3A_54 : vector<1024x576xf32>
    %jit3A_56 = arith.constant 1073741824 : i32
    %broadcast_in_dim3A_57 = vector.broadcast %jit3A_56 : i32 to vector<1024x576xi32>
    %select_n3A_58 = arith.select %eq3A_55, %iota3A, %broadcast_in_dim3A_57 : vector<1024x576xi1>, vector<1024x576xi32>
    %reduce_min3A_59 = arith.constant dense<2147483647> : vector<576xi32>
    %reduce_min3A_60 = vector.multi_reduction <minsi>, %select_n3A_58, %reduce_min3A_59 [0] : vector<1024x576xi32> to vector<576xi32>
    %swap3A_61 = arith.constant 0 : index
    %swap3A_62 = arith.constant 0 : index
    %swap3A_63 = arith.constant 576 : index
    %swap3A_64 = vector.load %arg3[%swap3A_61, %swap3A_62, %swap3A_63] : memref<1x1x2304xi32, #tpu.memory_space<vmem>>, vector<1x1x576xi32>
    %swap3A_65 = vector.shape_cast %swap3A_64 : vector<1x1x576xi32> to vector<576xi32>
    %swap3A_66 = vector.shape_cast %reduce_min3A_60 : vector<576xi32> to vector<1x1x576xi32>
    tpu.vector_store %arg3[%swap3A_61, %swap3A_62, %swap3A_63], %swap3A_66 {strides = array<i32>} : memref<1x1x2304xi32, #tpu.memory_space<vmem>>, vector<1x1x576xi32>,
    %get3A_67 = arith.constant 2 : index
    %get3A_68 = arith.constant 0 : index
    %get3A_69 = arith.constant 0 : index
    %get3A_70 = vector.load %arg1[%get3A_67, %get3A_68, %get3A_69] : memref<4x64x576xf32, #tpu.memory_space<vmem>>, vector<1x64x576xf32>
    %get3A_71 = vector.shape_cast %get3A_70 : vector<1x64x576xf32> to vector<64x576xf32>
    %mul3A_72 = arith.mulf %get3A_71, %get3A_71 : vector<64x576xf32>
    %reduce_sum3A_73 = arith.constant dense<0.000000e+00> : vector<576xf32>
    %reduce_sum3A_74 = vector.multi_reduction <add>, %mul3A_72, %reduce_sum3A_73 [0] : vector<64x576xf32> to vector<576xf32>
    %broadcast_in_dim3A_75 = vector.shape_cast %reduce_sum3A_74 : vector<576xf32> to vector<1x576xf32>
    %dot_general3A_76 = arith.constant dense<0.000000e+00> : vector<1024x576xf32>
    %dot_general3A_77 = tpu.matmul %get3A_1, %get3A_71, %dot_general3A_76 {dimension_numbers = #tpu.dot_dimension_numbers<[0], [0], [1], [1], [0, 1, 1, 1], [], []>, transpose_lhs_hint = false} : vector<64x1024xf32>, vector<64x576xf32>, vector<1024x576xf32> -> vector<1024x576xf32>
    %mul3A_78 = arith.constant 2.000000e+00 : f32
    %mul3A_79 = vector.broadcast %mul3A_78 : f32 to vector<1024x576xf32>
    %mul3A_80 = arith.mulf %mul3A_79, %dot_general3A_77 : vector<1024x576xf32>
    %sub3A_81 = vector.broadcast %broadcast_in_dim3A_75 : vector<1x576xf32> to vector<1024x576xf32>
    %sub3A_82 = arith.subf %sub3A_81, %mul3A_80 : vector<1024x576xf32>
    %add3A_83 = vector.broadcast %broadcast_in_dim3A : vector<1024x1xf32> to vector<1024x576xf32>
    %add3A_84 = arith.addf %sub3A_82, %add3A_83 : vector<1024x576xf32>
    %neg3A_85 = arith.constant 0.000000e+00 : f32
    %neg3A_86 = vector.broadcast %neg3A_85 : f32 to vector<1024x576xf32>
    %neg3A_87 = arith.subf %neg3A_86, %add3A_84 : vector<1024x576xf32>
    %reduce_max3A_88 = arith.constant dense<0xFF800000> : vector<576xf32>
    %reduce_max3A_89 = vector.multi_reduction <maximumf>, %neg3A_87, %reduce_max3A_88 [0] : vector<1024x576xf32> to vector<576xf32>
    %broadcast_in_dim3A_90 = vector.shape_cast %reduce_max3A_89 : vector<576xf32> to vector<1x576xf32>
    %eq3A_91 = vector.broadcast %broadcast_in_dim3A_90 : vector<1x576xf32> to vector<1024x576xf32>
    %eq3A_92 = arith.cmpf oeq, %neg3A_87, %eq3A_91 : vector<1024x576xf32>
    %jit3A_93 = arith.constant 1073741824 : i32
    %broadcast_in_dim3A_94 = vector.broadcast %jit3A_93 : i32 to vector<1024x576xi32>
    %select_n3A_95 = arith.select %eq3A_92, %iota3A, %broadcast_in_dim3A_94 : vector<1024x576xi1>, vector<1024x576xi32>
    %reduce_min3A_96 = arith.constant dense<2147483647> : vector<576xi32>
    %reduce_min3A_97 = vector.multi_reduction <minsi>, %select_n3A_95, %reduce_min3A_96 [0] : vector<1024x576xi32> to vector<576xi32>
    %swap3A_98 = arith.constant 0 : index
    %swap3A_99 = arith.constant 0 : index
    %swap3A_100 = arith.constant 1152 : index
    %swap3A_101 = vector.load %arg3[%swap3A_98, %swap3A_99, %swap3A_100] : memref<1x1x2304xi32, #tpu.memory_space<vmem>>, vector<1x1x576xi32>
    %swap3A_102 = vector.shape_cast %swap3A_101 : vector<1x1x576xi32> to vector<576xi32>
    %swap3A_103 = vector.shape_cast %reduce_min3A_97 : vector<576xi32> to vector<1x1x576xi32>
    tpu.vector_store %arg3[%swap3A_98, %swap3A_99, %swap3A_100], %swap3A_103 {strides = array<i32>} : memref<1x1x2304xi32, #tpu.memory_space<vmem>>, vector<1x1x576xi32>,
    %get3A_104 = arith.constant 3 : index
    %get3A_105 = arith.constant 0 : index
    %get3A_106 = arith.constant 0 : index
    %get3A_107 = vector.load %arg1[%get3A_104, %get3A_105, %get3A_106] : memref<4x64x576xf32, #tpu.memory_space<vmem>>, vector<1x64x576xf32>
    %get3A_108 = vector.shape_cast %get3A_107 : vector<1x64x576xf32> to vector<64x576xf32>
    %mul3A_109 = arith.mulf %get3A_108, %get3A_108 : vector<64x576xf32>
    %reduce_sum3A_110 = arith.constant dense<0.000000e+00> : vector<576xf32>
    %reduce_sum3A_111 = vector.multi_reduction <add>, %mul3A_109, %reduce_sum3A_110 [0] : vector<64x576xf32> to vector<576xf32>
    %broadcast_in_dim3A_112 = vector.shape_cast %reduce_sum3A_111 : vector<576xf32> to vector<1x576xf32>
    %dot_general3A_113 = arith.constant dense<0.000000e+00> : vector<1024x576xf32>
    %dot_general3A_114 = tpu.matmul %get3A_1, %get3A_108, %dot_general3A_113 {dimension_numbers = #tpu.dot_dimension_numbers<[0], [0], [1], [1], [0, 1, 1, 1], [], []>, transpose_lhs_hint = false} : vector<64x1024xf32>, vector<64x576xf32>, vector<1024x576xf32> -> vector<1024x576xf32>
    %mul3A_115 = arith.constant 2.000000e+00 : f32
    %mul3A_116 = vector.broadcast %mul3A_115 : f32 to vector<1024x576xf32>
    %mul3A_117 = arith.mulf %mul3A_116, %dot_general3A_114 : vector<1024x576xf32>
    %sub3A_118 = vector.broadcast %broadcast_in_dim3A_112 : vector<1x576xf32> to vector<1024x576xf32>
    %sub3A_119 = arith.subf %sub3A_118, %mul3A_117 : vector<1024x576xf32>
    %add3A_120 = vector.broadcast %broadcast_in_dim3A : vector<1024x1xf32> to vector<1024x576xf32>
    %add3A_121 = arith.addf %sub3A_119, %add3A_120 : vector<1024x576xf32>
    %neg3A_122 = arith.constant 0.000000e+00 : f32
    %neg3A_123 = vector.broadcast %neg3A_122 : f32 to vector<1024x576xf32>
    %neg3A_124 = arith.subf %neg3A_123, %add3A_121 : vector<1024x576xf32>
    %reduce_max3A_125 = arith.constant dense<0xFF800000> : vector<576xf32>
    %reduce_max3A_126 = vector.multi_reduction <maximumf>, %neg3A_124, %reduce_max3A_125 [0] : vector<1024x576xf32> to vector<576xf32>
    %broadcast_in_dim3A_127 = vector.shape_cast %reduce_max3A_126 : vector<576xf32> to vector<1x576xf32>
    %eq3A_128 = vector.broadcast %broadcast_in_dim3A_127 : vector<1x576xf32> to vector<1024x576xf32>
    %eq3A_129 = arith.cmpf oeq, %neg3A_124, %eq3A_128 : vector<1024x576xf32>
    %jit3A_130 = arith.constant 1073741824 : i32
    %broadcast_in_dim3A_131 = vector.broadcast %jit3A_130 : i32 to vector<1024x576xi32>
    %select_n3A_132 = arith.select %eq3A_129, %iota3A, %broadcast_in_dim3A_131 : vector<1024x576xi1>, vector<1024x576xi32>
    %reduce_min3A_133 = arith.constant dense<2147483647> : vector<576xi32>
    %reduce_min3A_134 = vector.multi_reduction <minsi>, %select_n3A_132, %reduce_min3A_133 [0] : vector<1024x576xi32> to vector<576xi32>
    %swap3A_135 = arith.constant 0 : index
    %swap3A_136 = arith.constant 0 : index
    %swap3A_137 = arith.constant 1728 : index
    %swap3A_138 = vector.load %arg3[%swap3A_135, %swap3A_136, %swap3A_137] : memref<1x1x2304xi32, #tpu.memory_space<vmem>>, vector<1x1x576xi32>
    %swap3A_139 = vector.shape_cast %swap3A_138 : vector<1x1x576xi32> to vector<576xi32>
    %swap3A_140 = vector.shape_cast %reduce_min3A_134 : vector<576xi32> to vector<1x1x576xi32>
    tpu.vector_store %arg3[%swap3A_135, %swap3A_136, %swap3A_137], %swap3A_140 {strides = array<i32>} : memref<1x1x2304xi32, #tpu.memory_space<vmem>>, vector<1x1x576xi32>,
    return
  }
  func.func @transform_0(%arg0: i32) -> (i32, i32, i32) {
    %add3A = arith.constant 5 : i32
    %add3A_0 = arith.addi %arg0, %add3A : i32
    %c0_i32 = arith.constant 0 : i32
    %c0_i32_1 = arith.constant 0 : i32
    %c0_i32_2 = arith.constant 0 : i32
    return %add3A_0, %c0_i32, %c0_i32_1 : i32, i32, i32
  }
  func.func @transform_1(%arg0: i32) -> (i32, i32) {
    %c0_i32 = arith.constant 0 : i32
    %c0_i32_0 = arith.constant 0 : i32
    %c0_i32_1 = arith.constant 0 : i32
    return %c0_i32, %c0_i32_0 : i32, i32
  }
  func.func @transform_2(%arg0: i32) -> (i32, i32, i32) {
    %c0_i32 = arith.constant 0 : i32
    %c0_i32_0 = arith.constant 0 : i32
    %c0_i32_1 = arith.constant 0 : i32
    return %arg0, %c0_i32, %c0_i32_0 : i32, i32, i32
  }
}

module attributes {stable_mosaic.version = 14 : i64} {
  func.func @_argmin_body(%arg0: i32, %arg1: memref<4x64x576xf32, #tpu.memory_space<vmem>>, %arg2: memref<64x1024xf32, #tpu.memory_space<vmem>>, %arg3: memref<1x1x2304xi32, #tpu.memory_space<vmem>>) attributes {dimension_semantics = [#tpu.dimension_semantics<arbitrary>], iteration_bounds = array<i64: 3>, scalar_prefetch = 0 : i64, scratch_operands = 0 : i64, tpu.core_type = #tpu.core_type<tc>, window_params = [{transform_indices = @transform_0, window_bounds = array<i64: 4, 64, 576>}, {pipeline_mode = #tpu.pipeline_mode<synchronous>, transform_indices = @transform_1, window_bounds = array<i64: 64, 1024>}, {transform_indices = @transform_2, window_bounds = array<i64: 1, 1, 2304>}]} {
    %get3A = arith.constant 0 : index
    %get3A_0 = arith.constant 0 : index
    %get3A_1 = vector.load %arg2[%get3A, %get3A_0] : memref<64x1024xf32, #tpu.memory_space<vmem>>, vector<64x1024xf32>
    %mul3A = arith.mulf %get3A_1, %get3A_1 : vector<64x1024xf32>
    %reduce_sum3A = arith.constant dense<0.000000e+00> : vector<1024xf32>
    %reduce_sum3A_2 = vector.multi_reduction <add>, %mul3A, %reduce_sum3A [0] : vector<64x1024xf32> to vector<1024xf32>
    %broadcast_in_dim3A = vector.shape_cast %reduce_sum3A_2 : vector<1024xf32> to vector<1024x1xf32>
    %iota3A = tpu.iota {dimensions = array<i32: 0>} : vector<1024x576xi32>
    %get3A_3 = arith.constant 0 : index
    %get3A_4 = arith.constant 0 : index
    %get3A_5 = arith.constant 0 : index
    %get3A_6 = vector.load %arg1[%get3A_3, %get3A_4, %get3A_5] : memref<4x64x576xf32, #tpu.memory_space<vmem>>, vector<1x64x576xf32>
    %get3A_7 = vector.shape_cast %get3A_6 : vector<1x64x576xf32> to vector<64x576xf32>
    %mul3A_8 = arith.mulf %get3A_7, %get3A_7 : vector<64x576xf32>
    %reduce_sum3A_9 = arith.constant dense<0.000000e+00> : vector<576xf32>
    %reduce_sum3A_10 = vector.multi_reduction <add>, %mul3A_8, %reduce_sum3A_9 [0] : vector<64x576xf32> to vector<576xf32>
    %broadcast_in_dim3A_11 = vector.shape_cast %reduce_sum3A_10 : vector<576xf32> to vector<1x576xf32>
    %dot_general3A = arith.constant dense<0.000000e+00> : vector<1024x576xf32>
    %dot_general3A_12 = tpu.matmul %get3A_1, %get3A_7, %dot_general3A {dimension_numbers = #tpu.dot_dimension_numbers<[0], [0], [1], [1], [0, 1, 1, 1], [], []>, transpose_lhs_hint = false} : vector<64x1024xf32>, vector<64x576xf32>, vector<1024x576xf32> -> vector<1024x576xf32>
    %mul3A_13 = arith.constant 2.000000e+00 : f32
    %mul3A_14 = vector.broadcast %mul3A_13 : f32 to vector<1024x576xf32>
    %mul3A_15 = arith.mulf %mul3A_14, %dot_general3A_12 : vector<1024x576xf32>
    %sub3A = vector.broadcast %broadcast_in_dim3A_11 : vector<1x576xf32> to vector<1024x576xf32>
    %sub3A_16 = arith.subf %sub3A, %mul3A_15 : vector<1024x576xf32>
    %add3A = vector.broadcast %broadcast_in_dim3A : vector<1024x1xf32> to vector<1024x576xf32>
    %add3A_17 = arith.addf %sub3A_16, %add3A : vector<1024x576xf32>
    %neg3A = arith.constant 0.000000e+00 : f32
    %neg3A_18 = vector.broadcast %neg3A : f32 to vector<1024x576xf32>
    %neg3A_19 = arith.subf %neg3A_18, %add3A_17 : vector<1024x576xf32>
    %reduce_max3A = arith.constant dense<0xFF800000> : vector<576xf32>
    %reduce_max3A_20 = vector.multi_reduction <maximumf>, %neg3A_19, %reduce_max3A [0] : vector<1024x576xf32> to vector<576xf32>
    %broadcast_in_dim3A_21 = vector.shape_cast %reduce_max3A_20 : vector<576xf32> to vector<1x576xf32>
    %eq3A = vector.broadcast %broadcast_in_dim3A_21 : vector<1x576xf32> to vector<1024x576xf32>
    %eq3A_22 = arith.cmpf oeq, %neg3A_19, %eq3A : vector<1024x576xf32>
    %jit3A = arith.constant 1073741824 : i32
    %broadcast_in_dim3A_23 = vector.broadcast %jit3A : i32 to vector<1024x576xi32>
    %select_n3A = arith.select %eq3A_22, %iota3A, %broadcast_in_dim3A_23 : vector<1024x576xi1>, vector<1024x576xi32>
    %reduce_min3A = arith.constant dense<2147483647> : vector<576xi32>
    %reduce_min3A_24 = vector.multi_reduction <minsi>, %select_n3A, %reduce_min3A [0] : vector<1024x576xi32> to vector<576xi32>
    %swap3A = arith.constant 0 : index
    %swap3A_25 = arith.constant 0 : index
    %swap3A_26 = arith.constant 0 : index
    %swap3A_27 = vector.load %arg3[%swap3A, %swap3A_25, %swap3A_26] : memref<1x1x2304xi32, #tpu.memory_space<vmem>>, vector<1x1x576xi32>
    %swap3A_28 = vector.shape_cast %swap3A_27 : vector<1x1x576xi32> to vector<576xi32>
    %swap3A_29 = vector.shape_cast %reduce_min3A_24 : vector<576xi32> to vector<1x1x576xi32>
    tpu.vector_store %arg3[%swap3A, %swap3A_25, %swap3A_26], %swap3A_29 {strides = array<i32>} : memref<1x1x2304xi32, #tpu.memory_space<vmem>>, vector<1x1x576xi32>,
    %get3A_30 = arith.constant 1 : index
    %get3A_31 = arith.constant 0 : index
    %get3A_32 = arith.constant 0 : index
    %get3A_33 = vector.load %arg1[%get3A_30, %get3A_31, %get3A_32] : memref<4x64x576xf32, #tpu.memory_space<vmem>>, vector<1x64x576xf32>
    %get3A_34 = vector.shape_cast %get3A_33 : vector<1x64x576xf32> to vector<64x576xf32>
    %mul3A_35 = arith.mulf %get3A_34, %get3A_34 : vector<64x576xf32>
    %reduce_sum3A_36 = arith.constant dense<0.000000e+00> : vector<576xf32>
    %reduce_sum3A_37 = vector.multi_reduction <add>, %mul3A_35, %reduce_sum3A_36 [0] : vector<64x576xf32> to vector<576xf32>
    %broadcast_in_dim3A_38 = vector.shape_cast %reduce_sum3A_37 : vector<576xf32> to vector<1x576xf32>
    %dot_general3A_39 = arith.constant dense<0.000000e+00> : vector<1024x576xf32>
    %dot_general3A_40 = tpu.matmul %get3A_1, %get3A_34, %dot_general3A_39 {dimension_numbers = #tpu.dot_dimension_numbers<[0], [0], [1], [1], [0, 1, 1, 1], [], []>, transpose_lhs_hint = false} : vector<64x1024xf32>, vector<64x576xf32>, vector<1024x576xf32> -> vector<1024x576xf32>
    %mul3A_41 = arith.constant 2.000000e+00 : f32
    %mul3A_42 = vector.broadcast %mul3A_41 : f32 to vector<1024x576xf32>
    %mul3A_43 = arith.mulf %mul3A_42, %dot_general3A_40 : vector<1024x576xf32>
    %sub3A_44 = vector.broadcast %broadcast_in_dim3A_38 : vector<1x576xf32> to vector<1024x576xf32>
    %sub3A_45 = arith.subf %sub3A_44, %mul3A_43 : vector<1024x576xf32>
    %add3A_46 = vector.broadcast %broadcast_in_dim3A : vector<1024x1xf32> to vector<1024x576xf32>
    %add3A_47 = arith.addf %sub3A_45, %add3A_46 : vector<1024x576xf32>
    %neg3A_48 = arith.constant 0.000000e+00 : f32
    %neg3A_49 = vector.broadcast %neg3A_48 : f32 to vector<1024x576xf32>
    %neg3A_50 = arith.subf %neg3A_49, %add3A_47 : vector<1024x576xf32>
    %reduce_max3A_51 = arith.constant dense<0xFF800000> : vector<576xf32>
    %reduce_max3A_52 = vector.multi_reduction <maximumf>, %neg3A_50, %reduce_max3A_51 [0] : vector<1024x576xf32> to vector<576xf32>
    %broadcast_in_dim3A_53 = vector.shape_cast %reduce_max3A_52 : vector<576xf32> to vector<1x576xf32>
    %eq3A_54 = vector.broadcast %broadcast_in_dim3A_53 : vector<1x576xf32> to vector<1024x576xf32>
    %eq3A_55 = arith.cmpf oeq, %neg3A_50, %eq3A_54 : vector<1024x576xf32>
    %jit3A_56 = arith.constant 1073741824 : i32
    %broadcast_in_dim3A_57 = vector.broadcast %jit3A_56 : i32 to vector<1024x576xi32>
    %select_n3A_58 = arith.select %eq3A_55, %iota3A, %broadcast_in_dim3A_57 : vector<1024x576xi1>, vector<1024x576xi32>
    %reduce_min3A_59 = arith.constant dense<2147483647> : vector<576xi32>
    %reduce_min3A_60 = vector.multi_reduction <minsi>, %select_n3A_58, %reduce_min3A_59 [0] : vector<1024x576xi32> to vector<576xi32>
    %swap3A_61 = arith.constant 0 : index
    %swap3A_62 = arith.constant 0 : index
    %swap3A_63 = arith.constant 576 : index
    %swap3A_64 = vector.load %arg3[%swap3A_61, %swap3A_62, %swap3A_63] : memref<1x1x2304xi32, #tpu.memory_space<vmem>>, vector<1x1x576xi32>
    %swap3A_65 = vector.shape_cast %swap3A_64 : vector<1x1x576xi32> to vector<576xi32>
    %swap3A_66 = vector.shape_cast %reduce_min3A_60 : vector<576xi32> to vector<1x1x576xi32>
    tpu.vector_store %arg3[%swap3A_61, %swap3A_62, %swap3A_63], %swap3A_66 {strides = array<i32>} : memref<1x1x2304xi32, #tpu.memory_space<vmem>>, vector<1x1x576xi32>,
    %get3A_67 = arith.constant 2 : index
    %get3A_68 = arith.constant 0 : index
    %get3A_69 = arith.constant 0 : index
    %get3A_70 = vector.load %arg1[%get3A_67, %get3A_68, %get3A_69] : memref<4x64x576xf32, #tpu.memory_space<vmem>>, vector<1x64x576xf32>
    %get3A_71 = vector.shape_cast %get3A_70 : vector<1x64x576xf32> to vector<64x576xf32>
    %mul3A_72 = arith.mulf %get3A_71, %get3A_71 : vector<64x576xf32>
    %reduce_sum3A_73 = arith.constant dense<0.000000e+00> : vector<576xf32>
    %reduce_sum3A_74 = vector.multi_reduction <add>, %mul3A_72, %reduce_sum3A_73 [0] : vector<64x576xf32> to vector<576xf32>
    %broadcast_in_dim3A_75 = vector.shape_cast %reduce_sum3A_74 : vector<576xf32> to vector<1x576xf32>
    %dot_general3A_76 = arith.constant dense<0.000000e+00> : vector<1024x576xf32>
    %dot_general3A_77 = tpu.matmul %get3A_1, %get3A_71, %dot_general3A_76 {dimension_numbers = #tpu.dot_dimension_numbers<[0], [0], [1], [1], [0, 1, 1, 1], [], []>, transpose_lhs_hint = false} : vector<64x1024xf32>, vector<64x576xf32>, vector<1024x576xf32> -> vector<1024x576xf32>
    %mul3A_78 = arith.constant 2.000000e+00 : f32
    %mul3A_79 = vector.broadcast %mul3A_78 : f32 to vector<1024x576xf32>
    %mul3A_80 = arith.mulf %mul3A_79, %dot_general3A_77 : vector<1024x576xf32>
    %sub3A_81 = vector.broadcast %broadcast_in_dim3A_75 : vector<1x576xf32> to vector<1024x576xf32>
    %sub3A_82 = arith.subf %sub3A_81, %mul3A_80 : vector<1024x576xf32>
    %add3A_83 = vector.broadcast %broadcast_in_dim3A : vector<1024x1xf32> to vector<1024x576xf32>
    %add3A_84 = arith.addf %sub3A_82, %add3A_83 : vector<1024x576xf32>
    %neg3A_85 = arith.constant 0.000000e+00 : f32
    %neg3A_86 = vector.broadcast %neg3A_85 : f32 to vector<1024x576xf32>
    %neg3A_87 = arith.subf %neg3A_86, %add3A_84 : vector<1024x576xf32>
    %reduce_max3A_88 = arith.constant dense<0xFF800000> : vector<576xf32>
    %reduce_max3A_89 = vector.multi_reduction <maximumf>, %neg3A_87, %reduce_max3A_88 [0] : vector<1024x576xf32> to vector<576xf32>
    %broadcast_in_dim3A_90 = vector.shape_cast %reduce_max3A_89 : vector<576xf32> to vector<1x576xf32>
    %eq3A_91 = vector.broadcast %broadcast_in_dim3A_90 : vector<1x576xf32> to vector<1024x576xf32>
    %eq3A_92 = arith.cmpf oeq, %neg3A_87, %eq3A_91 : vector<1024x576xf32>
    %jit3A_93 = arith.constant 1073741824 : i32
    %broadcast_in_dim3A_94 = vector.broadcast %jit3A_93 : i32 to vector<1024x576xi32>
    %select_n3A_95 = arith.select %eq3A_92, %iota3A, %broadcast_in_dim3A_94 : vector<1024x576xi1>, vector<1024x576xi32>
    %reduce_min3A_96 = arith.constant dense<2147483647> : vector<576xi32>
    %reduce_min3A_97 = vector.multi_reduction <minsi>, %select_n3A_95, %reduce_min3A_96 [0] : vector<1024x576xi32> to vector<576xi32>
    %swap3A_98 = arith.constant 0 : index
    %swap3A_99 = arith.constant 0 : index
    %swap3A_100 = arith.constant 1152 : index
    %swap3A_101 = vector.load %arg3[%swap3A_98, %swap3A_99, %swap3A_100] : memref<1x1x2304xi32, #tpu.memory_space<vmem>>, vector<1x1x576xi32>
    %swap3A_102 = vector.shape_cast %swap3A_101 : vector<1x1x576xi32> to vector<576xi32>
    %swap3A_103 = vector.shape_cast %reduce_min3A_97 : vector<576xi32> to vector<1x1x576xi32>
    tpu.vector_store %arg3[%swap3A_98, %swap3A_99, %swap3A_100], %swap3A_103 {strides = array<i32>} : memref<1x1x2304xi32, #tpu.memory_space<vmem>>, vector<1x1x576xi32>,
    %get3A_104 = arith.constant 3 : index
    %get3A_105 = arith.constant 0 : index
    %get3A_106 = arith.constant 0 : index
    %get3A_107 = vector.load %arg1[%get3A_104, %get3A_105, %get3A_106] : memref<4x64x576xf32, #tpu.memory_space<vmem>>, vector<1x64x576xf32>
    %get3A_108 = vector.shape_cast %get3A_107 : vector<1x64x576xf32> to vector<64x576xf32>
    %mul3A_109 = arith.mulf %get3A_108, %get3A_108 : vector<64x576xf32>
    %reduce_sum3A_110 = arith.constant dense<0.000000e+00> : vector<576xf32>
    %reduce_sum3A_111 = vector.multi_reduction <add>, %mul3A_109, %reduce_sum3A_110 [0] : vector<64x576xf32> to vector<576xf32>
    %broadcast_in_dim3A_112 = vector.shape_cast %reduce_sum3A_111 : vector<576xf32> to vector<1x576xf32>
    %dot_general3A_113 = arith.constant dense<0.000000e+00> : vector<1024x576xf32>
    %dot_general3A_114 = tpu.matmul %get3A_1, %get3A_108, %dot_general3A_113 {dimension_numbers = #tpu.dot_dimension_numbers<[0], [0], [1], [1], [0, 1, 1, 1], [], []>, transpose_lhs_hint = false} : vector<64x1024xf32>, vector<64x576xf32>, vector<1024x576xf32> -> vector<1024x576xf32>
    %mul3A_115 = arith.constant 2.000000e+00 : f32
    %mul3A_116 = vector.broadcast %mul3A_115 : f32 to vector<1024x576xf32>
    %mul3A_117 = arith.mulf %mul3A_116, %dot_general3A_114 : vector<1024x576xf32>
    %sub3A_118 = vector.broadcast %broadcast_in_dim3A_112 : vector<1x576xf32> to vector<1024x576xf32>
    %sub3A_119 = arith.subf %sub3A_118, %mul3A_117 : vector<1024x576xf32>
    %add3A_120 = vector.broadcast %broadcast_in_dim3A : vector<1024x1xf32> to vector<1024x576xf32>
    %add3A_121 = arith.addf %sub3A_119, %add3A_120 : vector<1024x576xf32>
    %neg3A_122 = arith.constant 0.000000e+00 : f32
    %neg3A_123 = vector.broadcast %neg3A_122 : f32 to vector<1024x576xf32>
    %neg3A_124 = arith.subf %neg3A_123, %add3A_121 : vector<1024x576xf32>
    %reduce_max3A_125 = arith.constant dense<0xFF800000> : vector<576xf32>
    %reduce_max3A_126 = vector.multi_reduction <maximumf>, %neg3A_124, %reduce_max3A_125 [0] : vector<1024x576xf32> to vector<576xf32>
    %broadcast_in_dim3A_127 = vector.shape_cast %reduce_max3A_126 : vector<576xf32> to vector<1x576xf32>
    %eq3A_128 = vector.broadcast %broadcast_in_dim3A_127 : vector<1x576xf32> to vector<1024x576xf32>
    %eq3A_129 = arith.cmpf oeq, %neg3A_124, %eq3A_128 : vector<1024x576xf32>
    %jit3A_130 = arith.constant 1073741824 : i32
    %broadcast_in_dim3A_131 = vector.broadcast %jit3A_130 : i32 to vector<1024x576xi32>
    %select_n3A_132 = arith.select %eq3A_129, %iota3A, %broadcast_in_dim3A_131 : vector<1024x576xi1>, vector<1024x576xi32>
    %reduce_min3A_133 = arith.constant dense<2147483647> : vector<576xi32>
    %reduce_min3A_134 = vector.multi_reduction <minsi>, %select_n3A_132, %reduce_min3A_133 [0] : vector<1024x576xi32> to vector<576xi32>
    %swap3A_135 = arith.constant 0 : index
    %swap3A_136 = arith.constant 0 : index
    %swap3A_137 = arith.constant 1728 : index
    %swap3A_138 = vector.load %arg3[%swap3A_135, %swap3A_136, %swap3A_137] : memref<1x1x2304xi32, #tpu.memory_space<vmem>>, vector<1x1x576xi32>
    %swap3A_139 = vector.shape_cast %swap3A_138 : vector<1x1x576xi32> to vector<576xi32>
    %swap3A_140 = vector.shape_cast %reduce_min3A_134 : vector<576xi32> to vector<1x1x576xi32>
    tpu.vector_store %arg3[%swap3A_135, %swap3A_136, %swap3A_137], %swap3A_140 {strides = array<i32>} : memref<1x1x2304xi32, #tpu.memory_space<vmem>>, vector<1x1x576xi32>,
    return
  }
  func.func @transform_0(%arg0: i32) -> (i32, i32, i32) {
    %add3A = arith.constant 13 : i32
    %add3A_0 = arith.addi %arg0, %add3A : i32
    %c0_i32 = arith.constant 0 : i32
    %c0_i32_1 = arith.constant 0 : i32
    %c0_i32_2 = arith.constant 0 : i32
    return %add3A_0, %c0_i32, %c0_i32_1 : i32, i32, i32
  }
  func.func @transform_1(%arg0: i32) -> (i32, i32) {
    %c0_i32 = arith.constant 0 : i32
    %c0_i32_0 = arith.constant 0 : i32
    %c0_i32_1 = arith.constant 0 : i32
    return %c0_i32, %c0_i32_0 : i32, i32
  }
  func.func @transform_2(%arg0: i32) -> (i32, i32, i32) {
    %c0_i32 = arith.constant 0 : i32
    %c0_i32_0 = arith.constant 0 : i32
    %c0_i32_1 = arith.constant 0 : i32
    return %arg0, %c0_i32, %c0_i32_0 : i32, i32, i32
  }
}

module attributes {stable_mosaic.version = 14 : i64} {
  func.func @_argmin_body(%arg0: i32, %arg1: memref<4x64x576xf32, #tpu.memory_space<vmem>>, %arg2: memref<64x1024xf32, #tpu.memory_space<vmem>>, %arg3: memref<1x1x2304xi32, #tpu.memory_space<vmem>>) attributes {dimension_semantics = [#tpu.dimension_semantics<arbitrary>], iteration_bounds = array<i64: 4>, scalar_prefetch = 0 : i64, scratch_operands = 0 : i64, tpu.core_type = #tpu.core_type<tc>, window_params = [{transform_indices = @transform_0, window_bounds = array<i64: 4, 64, 576>}, {pipeline_mode = #tpu.pipeline_mode<synchronous>, transform_indices = @transform_1, window_bounds = array<i64: 64, 1024>}, {transform_indices = @transform_2, window_bounds = array<i64: 1, 1, 2304>}]} {
    %get3A = arith.constant 0 : index
    %get3A_0 = arith.constant 0 : index
    %get3A_1 = vector.load %arg2[%get3A, %get3A_0] : memref<64x1024xf32, #tpu.memory_space<vmem>>, vector<64x1024xf32>
    %mul3A = arith.mulf %get3A_1, %get3A_1 : vector<64x1024xf32>
    %reduce_sum3A = arith.constant dense<0.000000e+00> : vector<1024xf32>
    %reduce_sum3A_2 = vector.multi_reduction <add>, %mul3A, %reduce_sum3A [0] : vector<64x1024xf32> to vector<1024xf32>
    %broadcast_in_dim3A = vector.shape_cast %reduce_sum3A_2 : vector<1024xf32> to vector<1024x1xf32>
    %iota3A = tpu.iota {dimensions = array<i32: 0>} : vector<1024x576xi32>
    %get3A_3 = arith.constant 0 : index
    %get3A_4 = arith.constant 0 : index
    %get3A_5 = arith.constant 0 : index
    %get3A_6 = vector.load %arg1[%get3A_3, %get3A_4, %get3A_5] : memref<4x64x576xf32, #tpu.memory_space<vmem>>, vector<1x64x576xf32>
    %get3A_7 = vector.shape_cast %get3A_6 : vector<1x64x576xf32> to vector<64x576xf32>
    %mul3A_8 = arith.mulf %get3A_7, %get3A_7 : vector<64x576xf32>
    %reduce_sum3A_9 = arith.constant dense<0.000000e+00> : vector<576xf32>
    %reduce_sum3A_10 = vector.multi_reduction <add>, %mul3A_8, %reduce_sum3A_9 [0] : vector<64x576xf32> to vector<576xf32>
    %broadcast_in_dim3A_11 = vector.shape_cast %reduce_sum3A_10 : vector<576xf32> to vector<1x576xf32>
    %dot_general3A = arith.constant dense<0.000000e+00> : vector<1024x576xf32>
    %dot_general3A_12 = tpu.matmul %get3A_1, %get3A_7, %dot_general3A {dimension_numbers = #tpu.dot_dimension_numbers<[0], [0], [1], [1], [0, 1, 1, 1], [], []>, transpose_lhs_hint = false} : vector<64x1024xf32>, vector<64x576xf32>, vector<1024x576xf32> -> vector<1024x576xf32>
    %mul3A_13 = arith.constant 2.000000e+00 : f32
    %mul3A_14 = vector.broadcast %mul3A_13 : f32 to vector<1024x576xf32>
    %mul3A_15 = arith.mulf %mul3A_14, %dot_general3A_12 : vector<1024x576xf32>
    %sub3A = vector.broadcast %broadcast_in_dim3A_11 : vector<1x576xf32> to vector<1024x576xf32>
    %sub3A_16 = arith.subf %sub3A, %mul3A_15 : vector<1024x576xf32>
    %add3A = vector.broadcast %broadcast_in_dim3A : vector<1024x1xf32> to vector<1024x576xf32>
    %add3A_17 = arith.addf %sub3A_16, %add3A : vector<1024x576xf32>
    %neg3A = arith.constant 0.000000e+00 : f32
    %neg3A_18 = vector.broadcast %neg3A : f32 to vector<1024x576xf32>
    %neg3A_19 = arith.subf %neg3A_18, %add3A_17 : vector<1024x576xf32>
    %reduce_max3A = arith.constant dense<0xFF800000> : vector<576xf32>
    %reduce_max3A_20 = vector.multi_reduction <maximumf>, %neg3A_19, %reduce_max3A [0] : vector<1024x576xf32> to vector<576xf32>
    %broadcast_in_dim3A_21 = vector.shape_cast %reduce_max3A_20 : vector<576xf32> to vector<1x576xf32>
    %eq3A = vector.broadcast %broadcast_in_dim3A_21 : vector<1x576xf32> to vector<1024x576xf32>
    %eq3A_22 = arith.cmpf oeq, %neg3A_19, %eq3A : vector<1024x576xf32>
    %jit3A = arith.constant 1073741824 : i32
    %broadcast_in_dim3A_23 = vector.broadcast %jit3A : i32 to vector<1024x576xi32>
    %select_n3A = arith.select %eq3A_22, %iota3A, %broadcast_in_dim3A_23 : vector<1024x576xi1>, vector<1024x576xi32>
    %reduce_min3A = arith.constant dense<2147483647> : vector<576xi32>
    %reduce_min3A_24 = vector.multi_reduction <minsi>, %select_n3A, %reduce_min3A [0] : vector<1024x576xi32> to vector<576xi32>
    %swap3A = arith.constant 0 : index
    %swap3A_25 = arith.constant 0 : index
    %swap3A_26 = arith.constant 0 : index
    %swap3A_27 = vector.load %arg3[%swap3A, %swap3A_25, %swap3A_26] : memref<1x1x2304xi32, #tpu.memory_space<vmem>>, vector<1x1x576xi32>
    %swap3A_28 = vector.shape_cast %swap3A_27 : vector<1x1x576xi32> to vector<576xi32>
    %swap3A_29 = vector.shape_cast %reduce_min3A_24 : vector<576xi32> to vector<1x1x576xi32>
    tpu.vector_store %arg3[%swap3A, %swap3A_25, %swap3A_26], %swap3A_29 {strides = array<i32>} : memref<1x1x2304xi32, #tpu.memory_space<vmem>>, vector<1x1x576xi32>,
    %get3A_30 = arith.constant 1 : index
    %get3A_31 = arith.constant 0 : index
    %get3A_32 = arith.constant 0 : index
    %get3A_33 = vector.load %arg1[%get3A_30, %get3A_31, %get3A_32] : memref<4x64x576xf32, #tpu.memory_space<vmem>>, vector<1x64x576xf32>
    %get3A_34 = vector.shape_cast %get3A_33 : vector<1x64x576xf32> to vector<64x576xf32>
    %mul3A_35 = arith.mulf %get3A_34, %get3A_34 : vector<64x576xf32>
    %reduce_sum3A_36 = arith.constant dense<0.000000e+00> : vector<576xf32>
    %reduce_sum3A_37 = vector.multi_reduction <add>, %mul3A_35, %reduce_sum3A_36 [0] : vector<64x576xf32> to vector<576xf32>
    %broadcast_in_dim3A_38 = vector.shape_cast %reduce_sum3A_37 : vector<576xf32> to vector<1x576xf32>
    %dot_general3A_39 = arith.constant dense<0.000000e+00> : vector<1024x576xf32>
    %dot_general3A_40 = tpu.matmul %get3A_1, %get3A_34, %dot_general3A_39 {dimension_numbers = #tpu.dot_dimension_numbers<[0], [0], [1], [1], [0, 1, 1, 1], [], []>, transpose_lhs_hint = false} : vector<64x1024xf32>, vector<64x576xf32>, vector<1024x576xf32> -> vector<1024x576xf32>
    %mul3A_41 = arith.constant 2.000000e+00 : f32
    %mul3A_42 = vector.broadcast %mul3A_41 : f32 to vector<1024x576xf32>
    %mul3A_43 = arith.mulf %mul3A_42, %dot_general3A_40 : vector<1024x576xf32>
    %sub3A_44 = vector.broadcast %broadcast_in_dim3A_38 : vector<1x576xf32> to vector<1024x576xf32>
    %sub3A_45 = arith.subf %sub3A_44, %mul3A_43 : vector<1024x576xf32>
    %add3A_46 = vector.broadcast %broadcast_in_dim3A : vector<1024x1xf32> to vector<1024x576xf32>
    %add3A_47 = arith.addf %sub3A_45, %add3A_46 : vector<1024x576xf32>
    %neg3A_48 = arith.constant 0.000000e+00 : f32
    %neg3A_49 = vector.broadcast %neg3A_48 : f32 to vector<1024x576xf32>
    %neg3A_50 = arith.subf %neg3A_49, %add3A_47 : vector<1024x576xf32>
    %reduce_max3A_51 = arith.constant dense<0xFF800000> : vector<576xf32>
    %reduce_max3A_52 = vector.multi_reduction <maximumf>, %neg3A_50, %reduce_max3A_51 [0] : vector<1024x576xf32> to vector<576xf32>
    %broadcast_in_dim3A_53 = vector.shape_cast %reduce_max3A_52 : vector<576xf32> to vector<1x576xf32>
    %eq3A_54 = vector.broadcast %broadcast_in_dim3A_53 : vector<1x576xf32> to vector<1024x576xf32>
    %eq3A_55 = arith.cmpf oeq, %neg3A_50, %eq3A_54 : vector<1024x576xf32>
    %jit3A_56 = arith.constant 1073741824 : i32
    %broadcast_in_dim3A_57 = vector.broadcast %jit3A_56 : i32 to vector<1024x576xi32>
    %select_n3A_58 = arith.select %eq3A_55, %iota3A, %broadcast_in_dim3A_57 : vector<1024x576xi1>, vector<1024x576xi32>
    %reduce_min3A_59 = arith.constant dense<2147483647> : vector<576xi32>
    %reduce_min3A_60 = vector.multi_reduction <minsi>, %select_n3A_58, %reduce_min3A_59 [0] : vector<1024x576xi32> to vector<576xi32>
    %swap3A_61 = arith.constant 0 : index
    %swap3A_62 = arith.constant 0 : index
    %swap3A_63 = arith.constant 576 : index
    %swap3A_64 = vector.load %arg3[%swap3A_61, %swap3A_62, %swap3A_63] : memref<1x1x2304xi32, #tpu.memory_space<vmem>>, vector<1x1x576xi32>
    %swap3A_65 = vector.shape_cast %swap3A_64 : vector<1x1x576xi32> to vector<576xi32>
    %swap3A_66 = vector.shape_cast %reduce_min3A_60 : vector<576xi32> to vector<1x1x576xi32>
    tpu.vector_store %arg3[%swap3A_61, %swap3A_62, %swap3A_63], %swap3A_66 {strides = array<i32>} : memref<1x1x2304xi32, #tpu.memory_space<vmem>>, vector<1x1x576xi32>,
    %get3A_67 = arith.constant 2 : index
    %get3A_68 = arith.constant 0 : index
    %get3A_69 = arith.constant 0 : index
    %get3A_70 = vector.load %arg1[%get3A_67, %get3A_68, %get3A_69] : memref<4x64x576xf32, #tpu.memory_space<vmem>>, vector<1x64x576xf32>
    %get3A_71 = vector.shape_cast %get3A_70 : vector<1x64x576xf32> to vector<64x576xf32>
    %mul3A_72 = arith.mulf %get3A_71, %get3A_71 : vector<64x576xf32>
    %reduce_sum3A_73 = arith.constant dense<0.000000e+00> : vector<576xf32>
    %reduce_sum3A_74 = vector.multi_reduction <add>, %mul3A_72, %reduce_sum3A_73 [0] : vector<64x576xf32> to vector<576xf32>
    %broadcast_in_dim3A_75 = vector.shape_cast %reduce_sum3A_74 : vector<576xf32> to vector<1x576xf32>
    %dot_general3A_76 = arith.constant dense<0.000000e+00> : vector<1024x576xf32>
    %dot_general3A_77 = tpu.matmul %get3A_1, %get3A_71, %dot_general3A_76 {dimension_numbers = #tpu.dot_dimension_numbers<[0], [0], [1], [1], [0, 1, 1, 1], [], []>, transpose_lhs_hint = false} : vector<64x1024xf32>, vector<64x576xf32>, vector<1024x576xf32> -> vector<1024x576xf32>
    %mul3A_78 = arith.constant 2.000000e+00 : f32
    %mul3A_79 = vector.broadcast %mul3A_78 : f32 to vector<1024x576xf32>
    %mul3A_80 = arith.mulf %mul3A_79, %dot_general3A_77 : vector<1024x576xf32>
    %sub3A_81 = vector.broadcast %broadcast_in_dim3A_75 : vector<1x576xf32> to vector<1024x576xf32>
    %sub3A_82 = arith.subf %sub3A_81, %mul3A_80 : vector<1024x576xf32>
    %add3A_83 = vector.broadcast %broadcast_in_dim3A : vector<1024x1xf32> to vector<1024x576xf32>
    %add3A_84 = arith.addf %sub3A_82, %add3A_83 : vector<1024x576xf32>
    %neg3A_85 = arith.constant 0.000000e+00 : f32
    %neg3A_86 = vector.broadcast %neg3A_85 : f32 to vector<1024x576xf32>
    %neg3A_87 = arith.subf %neg3A_86, %add3A_84 : vector<1024x576xf32>
    %reduce_max3A_88 = arith.constant dense<0xFF800000> : vector<576xf32>
    %reduce_max3A_89 = vector.multi_reduction <maximumf>, %neg3A_87, %reduce_max3A_88 [0] : vector<1024x576xf32> to vector<576xf32>
    %broadcast_in_dim3A_90 = vector.shape_cast %reduce_max3A_89 : vector<576xf32> to vector<1x576xf32>
    %eq3A_91 = vector.broadcast %broadcast_in_dim3A_90 : vector<1x576xf32> to vector<1024x576xf32>
    %eq3A_92 = arith.cmpf oeq, %neg3A_87, %eq3A_91 : vector<1024x576xf32>
    %jit3A_93 = arith.constant 1073741824 : i32
    %broadcast_in_dim3A_94 = vector.broadcast %jit3A_93 : i32 to vector<1024x576xi32>
    %select_n3A_95 = arith.select %eq3A_92, %iota3A, %broadcast_in_dim3A_94 : vector<1024x576xi1>, vector<1024x576xi32>
    %reduce_min3A_96 = arith.constant dense<2147483647> : vector<576xi32>
    %reduce_min3A_97 = vector.multi_reduction <minsi>, %select_n3A_95, %reduce_min3A_96 [0] : vector<1024x576xi32> to vector<576xi32>
    %swap3A_98 = arith.constant 0 : index
    %swap3A_99 = arith.constant 0 : index
    %swap3A_100 = arith.constant 1152 : index
    %swap3A_101 = vector.load %arg3[%swap3A_98, %swap3A_99, %swap3A_100] : memref<1x1x2304xi32, #tpu.memory_space<vmem>>, vector<1x1x576xi32>
    %swap3A_102 = vector.shape_cast %swap3A_101 : vector<1x1x576xi32> to vector<576xi32>
    %swap3A_103 = vector.shape_cast %reduce_min3A_97 : vector<576xi32> to vector<1x1x576xi32>
    tpu.vector_store %arg3[%swap3A_98, %swap3A_99, %swap3A_100], %swap3A_103 {strides = array<i32>} : memref<1x1x2304xi32, #tpu.memory_space<vmem>>, vector<1x1x576xi32>,
    %get3A_104 = arith.constant 3 : index
    %get3A_105 = arith.constant 0 : index
    %get3A_106 = arith.constant 0 : index
    %get3A_107 = vector.load %arg1[%get3A_104, %get3A_105, %get3A_106] : memref<4x64x576xf32, #tpu.memory_space<vmem>>, vector<1x64x576xf32>
    %get3A_108 = vector.shape_cast %get3A_107 : vector<1x64x576xf32> to vector<64x576xf32>
    %mul3A_109 = arith.mulf %get3A_108, %get3A_108 : vector<64x576xf32>
    %reduce_sum3A_110 = arith.constant dense<0.000000e+00> : vector<576xf32>
    %reduce_sum3A_111 = vector.multi_reduction <add>, %mul3A_109, %reduce_sum3A_110 [0] : vector<64x576xf32> to vector<576xf32>
    %broadcast_in_dim3A_112 = vector.shape_cast %reduce_sum3A_111 : vector<576xf32> to vector<1x576xf32>
    %dot_general3A_113 = arith.constant dense<0.000000e+00> : vector<1024x576xf32>
    %dot_general3A_114 = tpu.matmul %get3A_1, %get3A_108, %dot_general3A_113 {dimension_numbers = #tpu.dot_dimension_numbers<[0], [0], [1], [1], [0, 1, 1, 1], [], []>, transpose_lhs_hint = false} : vector<64x1024xf32>, vector<64x576xf32>, vector<1024x576xf32> -> vector<1024x576xf32>
    %mul3A_115 = arith.constant 2.000000e+00 : f32
    %mul3A_116 = vector.broadcast %mul3A_115 : f32 to vector<1024x576xf32>
    %mul3A_117 = arith.mulf %mul3A_116, %dot_general3A_114 : vector<1024x576xf32>
    %sub3A_118 = vector.broadcast %broadcast_in_dim3A_112 : vector<1x576xf32> to vector<1024x576xf32>
    %sub3A_119 = arith.subf %sub3A_118, %mul3A_117 : vector<1024x576xf32>
    %add3A_120 = vector.broadcast %broadcast_in_dim3A : vector<1024x1xf32> to vector<1024x576xf32>
    %add3A_121 = arith.addf %sub3A_119, %add3A_120 : vector<1024x576xf32>
    %neg3A_122 = arith.constant 0.000000e+00 : f32
    %neg3A_123 = vector.broadcast %neg3A_122 : f32 to vector<1024x576xf32>
    %neg3A_124 = arith.subf %neg3A_123, %add3A_121 : vector<1024x576xf32>
    %reduce_max3A_125 = arith.constant dense<0xFF800000> : vector<576xf32>
    %reduce_max3A_126 = vector.multi_reduction <maximumf>, %neg3A_124, %reduce_max3A_125 [0] : vector<1024x576xf32> to vector<576xf32>
    %broadcast_in_dim3A_127 = vector.shape_cast %reduce_max3A_126 : vector<576xf32> to vector<1x576xf32>
    %eq3A_128 = vector.broadcast %broadcast_in_dim3A_127 : vector<1x576xf32> to vector<1024x576xf32>
    %eq3A_129 = arith.cmpf oeq, %neg3A_124, %eq3A_128 : vector<1024x576xf32>
    %jit3A_130 = arith.constant 1073741824 : i32
    %broadcast_in_dim3A_131 = vector.broadcast %jit3A_130 : i32 to vector<1024x576xi32>
    %select_n3A_132 = arith.select %eq3A_129, %iota3A, %broadcast_in_dim3A_131 : vector<1024x576xi1>, vector<1024x576xi32>
    %reduce_min3A_133 = arith.constant dense<2147483647> : vector<576xi32>
    %reduce_min3A_134 = vector.multi_reduction <minsi>, %select_n3A_132, %reduce_min3A_133 [0] : vector<1024x576xi32> to vector<576xi32>
    %swap3A_135 = arith.constant 0 : index
    %swap3A_136 = arith.constant 0 : index
    %swap3A_137 = arith.constant 1728 : index
    %swap3A_138 = vector.load %arg3[%swap3A_135, %swap3A_136, %swap3A_137] : memref<1x1x2304xi32, #tpu.memory_space<vmem>>, vector<1x1x576xi32>
    %swap3A_139 = vector.shape_cast %swap3A_138 : vector<1x1x576xi32> to vector<576xi32>
    %swap3A_140 = vector.shape_cast %reduce_min3A_134 : vector<576xi32> to vector<1x1x576xi32>
    tpu.vector_store %arg3[%swap3A_135, %swap3A_136, %swap3A_137], %swap3A_140 {strides = array<i32>} : memref<1x1x2304xi32, #tpu.memory_space<vmem>>, vector<1x1x576xi32>,
    return
  }
  func.func @transform_0(%arg0: i32) -> (i32, i32, i32) {
    %add3A = arith.constant 9 : i32
    %add3A_0 = arith.addi %arg0, %add3A : i32
    %c0_i32 = arith.constant 0 : i32
    %c0_i32_1 = arith.constant 0 : i32
    %c0_i32_2 = arith.constant 0 : i32
    return %add3A_0, %c0_i32, %c0_i32_1 : i32, i32, i32
  }
  func.func @transform_1(%arg0: i32) -> (i32, i32) {
    %c0_i32 = arith.constant 0 : i32
    %c0_i32_0 = arith.constant 0 : i32
    %c0_i32_1 = arith.constant 0 : i32
    return %c0_i32, %c0_i32_0 : i32, i32
  }
  func.func @transform_2(%arg0: i32) -> (i32, i32, i32) {
    %c0_i32 = arith.constant 0 : i32
    %c0_i32_0 = arith.constant 0 : i32
    %c0_i32_1 = arith.constant 0 : i32
    return %arg0, %c0_i32, %c0_i32_0 : i32, i32, i32
  }
}

</mosaic_0001>

<sc_bundles>
// kernel: kernel.10.cloned.1.call-start
scs
__scs_entry_jumppad:
0x0: {  	(pc) =	sbr.rel $0x88, $3  }
0x1: {  	(tag) =	ssettag $0x0;
	lr =	simm.s32 $0x1  }
0x2: {  	[smem:$0x3F9F] =	sst lr;
	_ =	strace $0xD0000000  }
0x3: {  	_ = 	snop  }
0x4: {  	_ = 	snop  }
0x5: {  	_ = 	snop  }
0x6: {  	_ = 	snop  }
0x7: {  	_ = 	snop  }
__scs_overlays_trampoline_lowered:
0x8: {  	[smem:$0x3FAE] =	sst s0  }
0x9: {  	[smem:$0x3FAF] =	sst s1  }
0xa: {  	[smem:$0x3FB0] =	sst s2  }
0xb: {  	[smem:$0x3FB1] =	sst s3  }
0xc: {  	[smem:$0x3FB2] =	sst s4  }
0xd: {  	[smem:$0x3FB3] =	sst s5  }
0xe: {  	[smem:$0x3FB4] =	sst s6  }
0xf: {  	[smem:$0x3FB5] =	sst s7  }
0x10: {  	[smem:$0x3FB6] =	sst s8  }
0x11: {  	[smem:$0x3FB7] =	sst s9;
	s0 =	simm.s32 @!p0 $0x0  }
0x12: {  	s1 =	sld [smem:$0x3F9D];
	s0 =	simm.s32 @p0 $0x1  }
0x13: {  	[smem:$0x3FB8] =	sst s0;
	s0 =	simm.s32 @!p1 $0x0  }
0x14: {  	s2 =	sld [smem:$0x3F9C];
	s0 =	simm.s32 @p1 $0x1  }
0x15: {  	[smem:$0x3FB9] =	sst s0;
	s0 =	simm.s32 @!p2 $0x0  }
0x16: {  	s3 =	sld [smem:$0x3FDB];
	s0 =	simm.s32 @p2 $0x1  }
0x17: {  	s4 =	simm.s32 $0x1BF5;
	[smem:$0x3FBB] =	sst s0  }
0x18: {  	s0 =	sld [smem:$0x3F9E];
	_ =	swait.ge [sflag:s4], $0x0  }
0x19: {  	s7 =	sld [smem:$0x3F9F]  }
0x1a: {  	s8 =	sadd.s32 $0xFFFFE003, lr  }
0x1b: {  	s9 =	sadd.s32 $0xFFFFFEF7, lr;
	s5 =	simm.s32 $0xFFFFFFFF;
	p2 =	slt.u32 s8, $0xFFFFF086  }
0x1c: {  	p1 =	slt.u32 s9, $0xF7A;
	s5 =	simm.s32 @!p2 $0x0  }
0x1d: {  	s5 =	simm.s32 @p1 $0x1;
	p0 =	seq.s32 s7, s2  }
0x1e: {  	s7 =	smul.u32 @!p0 $0xF7A, s2;
	p2 =	seq.s32 @!p0 s5, $0x0  }
0x1f: {  	s9 =	smul.u32 $0xF7A, s1;
	s8 =	simm.s32 @!p0 $0x1BF5;
	p2 =	por !p2, p0  }
0x20: {  	[sflag:s8] =	ssyncset.s32 @!p0 $0xFFFFF086;
	s6 =	sadd.s32 @!p0 s3, s7;
	s7 =	simm.s32 @!p0 $0x108  }
0x21: {  	s3 =	sadd.s32 s3, s9;
	s6 =	sadd.s32 @!p0 $0x88, s6;
	s7 =	simm.s32 @p2 $0x1082  }
0x22: {  	[simem:s7], [sflag:s8] =	dma.local @!p0 [hbm:s6], $0xF7A  }
0x23: {  	s9 =	sor.u32 $0xD0000000, s2;
	s6 =	simm.s32 $0x108;
	_ =	swait.ge @!p0 [sflag:s8], $0x0  }
0x24: {  	s3 =	sadd.s32 $0x88, s3;
	s6 =	simm.s32 @!p1 $0x1082;
	[sflag:s4] =	ssyncset.s32 $0xFFFFF086  }
0x25: {  	[simem:s6], [sflag:s4] =	dma.local [hbm:s3], $0xF7A  }
0x26: {  	[smem:$0x3F9F] =	sst s1;
	(tag) =	ssettag s2;
	_ =	strace s9  }
0x27: {  	s1 =	sld [smem:$0x3FAF]  }
0x28: {  	s2 =	sld [smem:$0x3FB0]  }
0x29: {  	s4 =	sld [smem:$0x3FB2]  }
0x2a: {  	p0 =	seq.s32 s5, $0x0;
	s5 =	sld [smem:$0x3FB3]  }
0x2b: {  	s6 =	sld [smem:$0x3FB4]  }
0x2c: {  	s7 =	sld [smem:$0x3FB5]  }
0x2d: {  	s3 =	simm.s32 $0x108;
	s8 =	sld [smem:$0x3FB6]  }
0x2e: {  	s3 =	simm.s32 @!p0 $0x1082;
	s9 =	sld [smem:$0x3FB7]  }
0x2f: {  	lr =	sadd.s32 s0, s3;
	s0 =	sld [smem:$0x3FAE]  }
0x30: {  	s3 =	sld [smem:$0x3FB1]  }
0x31: {  	[smem:$0x3FBA] =	sst s10  }
0x32: {  	s10 =	sld [smem:$0x3FB8];
	_ =	sdelay $0x3  }
0x33: {  	p0 =	seq.s32 s10, $0x1;
	s10 =	sld [smem:$0x3FBA];
	_ =	sdelay $0x3  }
0x34: {  	[smem:$0x3FBA] =	sst s10  }
0x35: {  	s10 =	sld [smem:$0x3FB9];
	_ =	sdelay $0x3  }
0x36: {  	p1 =	seq.s32 s10, $0x1;
	s10 =	sld [smem:$0x3FBA];
	_ =	sdelay $0x3  }
0x37: {  	[smem:$0x3FBA] =	sst s10  }
0x38: {  	s10 =	sld [smem:$0x3FBB]  }
0x39: {  	_ = 	snop;
	(pc) =	sbr.ind lr, $3  }
0x3a: {  	_ = 	snop  }
0x3b: {  	_ = 	snop  }
0x3c: {  	p2 =	seq.s32 s10, $0x1;
	s10 =	sld [smem:$0x3FBA]  }
0x3d: {  	_ =	shalt  }
0x3e: {  	_ =	shalt  }
0x3f: {  	_ =	shalt  }
0x40: {  	_ =	shalt  }
0x41: {  	_ =	shalt  }
0x42: {  	_ =	shalt  }
0x43: {  	_ =	shalt  }
0x44: {  	_ =	shalt  }
0x45: {  	_ =	shalt  }
0x46: {  	_ =	shalt  }
0x47: {  	_ =	shalt  }
0x48: {  	_ =	shalt  }
0x49: {  	_ =	shalt  }
0x4a: {  	_ =	shalt  }
0x4b: {  	_ =	shalt  }
0x4c: {  	_ =	shalt  }
0x4d: {  	_ =	shalt  }
0x4e: {  	_ =	shalt  }
0x4f: {  	_ =	shalt  }
0x50: {  	_ =	shalt  }
0x51: {  	_ =	shalt  }
0x52: {  	_ =	shalt  }
0x53: {  	_ =	shalt  }
0x54: {  	_ =	shalt  }
0x55: {  	_ =	shalt  }
0x56: {  	_ =	shalt  }
0x57: {  	_ =	shalt  }
0x58: {  	_ =	shalt  }
0x59: {  	_ =	shalt  }
0x5a: {  	_ =	shalt  }
0x5b: {  	_ =	shalt  }
0x5c: {  	_ =	shalt  }
0x5d: {  	_ =	shalt  }
0x5e: {  	_ =	shalt  }
0x5f: {  	_ =	shalt  }
0x60: {  	_ =	shalt  }
0x61: {  	_ =	shalt  }
0x62: {  	_ =	shalt  }
0x63: {  	_ =	shalt  }
0x64: {  	_ =	shalt  }
0x65: {  	_ =	shalt  }
0x66: {  	_ =	shalt  }
0x67: {  	_ =	shalt  }
0x68: {  	_ =	shalt  }
0x69: {  	_ =	shalt  }
0x6a: {  	_ =	shalt  }
0x6b: {  	_ =	shalt  }
0x6c: {  	_ =	shalt  }
0x6d: {  	_ =	shalt  }
0x6e: {  	_ =	shalt  }
0x6f: {  	_ =	shalt  }
0x70: {  	_ =	shalt  }
0x71: {  	_ =	shalt  }
0x72: {  	_ =	shalt  }
0x73: {  	_ =	shalt  }
0x74: {  	_ =	shalt  }
0x75: {  	_ =	shalt  }
0x76: {  	_ =	shalt  }
0x77: {  	_ =	shalt  }
0x78: {  	_ =	shalt  }
0x79: {  	_ =	shalt  }
0x7a: {  	_ =	shalt  }
0x7b: {  	_ =	shalt  }
0x7c: {  	_ =	shalt  }
0x7d: {  	_ =	shalt  }
0x7e: {  	_ =	shalt  }
0x7f: {  	_ =	shalt  }
0x80: {  	_ =	shalt  }
0x81: {  	_ =	shalt  }
0x82: {  	_ =	shalt  }
0x83: {  	_ =	shalt  }
0x84: {  	_ =	shalt  }
0x85: {  	_ =	shalt  }
0x86: {  	_ =	shalt  }
0x87: {  	_ =	shalt  }
.Lfunc_end0:
.L_simem_size_0:
called_computation_lowered:
.L_overlay_start_0:
0x88: {  	s2 =	sld [smem:$0x3FD9]  }
0x89: {  	s3 =	sld [smem:$0x3FFE];
	_ =	sdelay $0x1  }
0x8a: {  	s1 =	srdreg.scid  }
0x8b: {  	s0 =	sand.u32 $0x1, s1  }
0x8c: {  	s17 =	sshll.u32 s0, $0xA;
	s2 =	sadd.s32 s3, s2  }
0x8d: {  	s2 =	sadd.s32 s2, s17  }
0x8e: {  	[smem:$0x3FC6] =	sst s2  }
0x8f: {  	_ = 	snop  }
0x90: {  	s2 =	sld [smem:$0x3FD0];
	(tm) =	ssettm $0x1  }
0x91: {  	s18 =	sld [smem:$0x3FFB];
	_ =	sdelay $0x3  }
0x92: {  	_ =	strace s18  }
0x93: {  	s3 =	sld [smem:$0x3FFC];
	_ =	sdelay $0x3  }
0x94: {  	_ =	strace s3  }
0x95: {  	s3 =	sld [smem:$0x3FFD];
	_ =	sdelay $0x3  }
0x96: {  	_ =	strace s3  }
0x97: {  	_ =	strace $0x8FFFFFFF  }
0x98: {  	s19 =	sld [smem:$0x3FDB];
	_ =	sdelay $0x1  }
0x99: {  	s4 =	simm.s32 $_scs_section_size  }
0x9a: {  	s5 =	simm.s32 $_size__tile_overlayer_lowered;
	s6 =	simm.s32 $_tile_overlayer_lowered  }
0x9b: {  	s22 =	simm.s32 $0x1BFF;
	s21 =	sshll.u32 s6, $0x1;
	s3 =	sadd.s32 s4, s19  }
0x9c: {  	s7 =	simm.s32 $0x0;
	s20 =	sshll.u32 s5, $0x1;
	s5 =	sadd.s32 s21, s3  }
0x9d: {  	[timem:s7], [sflag:s22] =	dma.local [hbm:s5], s20  }
0x9e: {  	_ =	swait.ge [sflag:s22], s20  }
0x9f: {  	s4 =	ssub.s32 $0x0, s20;
	[sflag:s22] =	ssyncset.done $0x0  }
0xa0: {  	[sflag:s22] =	ssyncadd.s32 s4;
	_ =	sdelay $0x1  }
0xa1: {  	s23 =	simm.s32 $0x1B8B  }
0xa2: {  	_ =	swait.ge [sflag:s23], $0x1  }
0xa3: {  	[sflag:s23] =	ssyncset.done $0x0  }
0xa4: {  	s25 =	simm.s32 $0x1B8E;
	s24 =	sld [smem:$0x3FFE];
	[sflag:s23] =	ssyncadd.s32 $0xFFFFFFFF  }
0xa5: {  	s26 =	simm.s32 $execute0_lowered;
	[smem:$0x3FD2] =	sst s25  }
0xa6: {  	s5 =	sshll.u32 s26, $0x1;
	_ =	strace $0x80000046;
	[dreg:$0x1] =	wrdreg $0xFFFFFFFF  }
0xa7: {  	s28 =	simm.s32 $_size_execute0_lowered;
	s3 =	sadd.s32 s3, s5;
	[dreg:$0x0] =	wrdreg $0x0  }
0xa8: {  	s5 =	sshll.u32 s28, $0x1;
	[dreg:$0x2] =	wrdreg s3  }
0xa9: {  	[dreg:$0x3] =	wrdreg s5  }
0xaa: {  	[dreg:$0x4] =	wrdreg $0xC0  }
0xab: {  	_ =	task [dreg:s7], $0x5FFFF  }
0xac: {  	[dreg:$0x1] =	wrdreg $0xFFFFFFFF  }
0xad: {  	[dreg:$0x0] =	wrdreg $0x60  }
0xae: {  	[dreg:$0x2] =	wrdreg s2  }
0xaf: {  	[dreg:$0x3] =	wrdreg s24  }
0xb0: {  	[dreg:$0x4] =	wrdreg $0x9  }
0xb1: {  	_ =	task.clear_ibuf [dreg:s7], $0x5FFFF;
	_ =	strace $0x90000046  }
0xb2: {  	s29 =	simm.s32 $0x9;
	_ =	strace $0x80000048  }
0xb3: {  	_ =	swait.ge [sflag:s29], $0x1  }
0xb4: {  	[sflag:s29] =	ssyncadd.s32 $0xFFFFFFFF  }
0xb5: {  	_ =	strace $0x90000048  }
0xb6: {  	_ =	sfence  }
0xb7: {  	s30 =	sld [smem:$0x0];
	_ =	sdelay $0x2  }
0xb8: {  	s31 =	sshll.u32 s1, $0xD;
	s1 =	sshrl.u32 s1, $0x2  }
0xb9: {  	s3 =	sand.u32 $0x4000, s31;
	s1 =	sadd.s32 s1, s30  }
0xba: {  	s0 =	sor.u32 s3, s0;
	s1 =	sshll.u32 s1, $0x11  }
0xbb: {  	s0 =	sor.u32 s1, s0  }
0xbc: {  	s0 =	sadd.s32 $0x8F2B, s0  }
0xbd: {  	[sflag:s0] =	ssyncadd.remote.s32 $0x1  }
0xbe: {  	_ =	sfence.sel $0xFFFF  }
0xbf: {  	[dreg:$0x0] =	wrdreg $0xFFFFFFFF;
	(pc) =	sbr.abs _section_cstart, $3  }
0xc0: {  	[dreg:$0x1] =	wrdreg $0xFFFFFFFF  }
0xc1: {  	_ =	task.clear_ibuf [dreg:s7], $0x2FFFF;
	_ =	strace $0x9FFFFFFF  }
0xc2: {  	(tm) =	ssettm $0x7FFFFFFF  }
0xc3: {  	_ =	shalt  }
tec
execute0_lowered:
.L_overlay_start_1:
0x0: {  	(tag) =	ssettag $0x1  }
0x1: {  	s2 =	rddreg [dreg:$0x0]  }
0x2: {  	s1 =	srdreg.scid;
	s0 =	stileid.u32  }
0x3: {  	s13 =	rddreg [dreg:$0x1];
	s14 =	sand.u32 $0x1, s1;
	s4 =	sshll.u32 s0, $0x1  }
0x4: {  	s3 =	simm.s32 $0x0;
	s1 =	rddreg [dreg:$0x2];
	s15 =	sor.u32 s14, s4  }
0x5: {  	[smem:$0x7FF] =	sst s3;
	s4 =	sshll.u32 s15, $0x6  }
0x6: {  	_ =	strace $0x80000047;
	s5 =	sadd.s32 s13, s4;
	s4 =	simm.s32 $0x2  }
0x7: {  	[tilespmem:s3], [sflag:$0x2] =	stream.linear.gather [hbm4b:s5+s3], $0x180, $0x38;
	[tilespmem:$0xB600] =	vst v63  }
0x8: {  	_ =	swait.ge [sflag:s4], $0x180  }
0x9: {  	[sflag:s4] =	ssyncset.done $0x0  }
0xa: {  	s6 =	simm.s32 $0x78;
	s7 =	simm.s32 $0x200;
	[sflag:s4] =	ssyncadd.s32 $0xFFFFFE80  }
0xb: {  	[tilespmem:s7], [sflag:$0x1] =	stream.indirect.gather [hbm4b:s2+s6], $0x80, s3, s6, $0xb8;
	[tilespmem:$0xB600] =	vst v63  }
0xc: {  	s8 =	simm.s32 $0x80;
	s9 =	simm.s32 $0x3E00  }
0xd: {  	[tilespmem:s9], [sflag:$0x1] =	stream.indirect.gather [hbm4b:s2+s6], $0x80, s8, s6, $0xb8;
	[tilespmem:$0xB600] =	vst v63  }
0xe: {  	s10 =	simm.s32 $0x100;
	s11 =	simm.s32 $0x7A00;
	s12 =	simm.s32 $0x1  }
0xf: {  	[tilespmem:s11], [sflag:$0x1] =	stream.indirect.gather [hbm4b:s2+s6], $0x80, s10, s6, $0xb8;
	[tilespmem:$0xB600] =	vst v63  }
0x10: {  	_ =	swait.ge [sflag:s12], $0x3C00  }
0x11: {  	[sflag:s12] =	ssyncset.done $0x0  }
0x12: {  	s14 =	ssub.s32 $0x2, s14;
	[sflag:s12] =	ssyncadd.s32 $0xFFFFC400  }
0x13: {  	s16 =	sshrl.u32 s14, $0x1;
	_ =	swait.ge [sflag:s12], $0x3C00  }
0x14: {  	s14 =	ssub.s32 s14, s16;
	[sflag:s12] =	ssyncset.done $0x0  }
0x15: {  	s15 =	smul.u32 $0x1680, s15;
	s14 =	smax.u32 s14, $0x1;
	[sflag:s12] =	ssyncadd.s32 $0xFFFFC400  }
0x16: {  	p0 =	sne.s32 s14, $0x1;
	_ =	swait.ge [sflag:s12], $0x3C00  }
.Ltmp0:
0x17: {  	s13 =	sadd.s32 s15, s13;
	[sflag:s12] =	ssyncset.done $0x0;
	(pc) =	sbr.rel @!p0 .LBB2_2-.Ltmp0, $4  }
0x18: {  	s13 =	sadd.s32 $0x800, s13;
	[sflag:s12] =	ssyncadd.s32 $0xFFFFC400  }
0x19: {  	[hbm4b:s13+s3] =	stream.linear.scatter [tilespmem:s7], [sflag:$0x2], $0xB400, $0x38;
	[tilespmem:$0xB600] =	vst v63  }
0x1a: {  	_ =	swait.ge [sflag:s4], $0xB400  }
0x1b: {  	s14 =	sadd.s32 $0xFFFFFFFF, s14;
	[sflag:s4] =	ssyncset.done $0x0  }
.LBB2_1:
0x1c: {  	p0 =	sne.s32 s14, $0x1;
	s14 =	sadd.s32 $0xFFFFFFFF, s14;
	[sflag:s4] =	ssyncadd.s32 $0xFFFF4C00  }
0x1d: {  	[tilespmem:s3], [sflag:$0x2] =	stream.linear.gather [hbm4b:s5+s3], $0x180, $0x38;
	[tilespmem:$0xB600] =	vst v63  }
0x1e: {  	_ =	swait.ge [sflag:s4], $0x180  }
0x1f: {  	[sflag:s4] =	ssyncset.done $0x0  }
0x20: {  	[sflag:s4] =	ssyncadd.s32 $0xFFFFFE80  }
0x21: {  	[tilespmem:s7], [sflag:$0x1] =	stream.indirect.gather [hbm4b:s2+s6], $0x80, s3, s6, $0xb8;
	[tilespmem:$0xB600] =	vst v63  }
0x22: {  	_ = 	snop  }
0x23: {  	[tilespmem:s9], [sflag:$0x1] =	stream.indirect.gather [hbm4b:s2+s6], $0x80, s8, s6, $0xb8;
	[tilespmem:$0xB600] =	vst v63  }
0x24: {  	_ = 	snop  }
0x25: {  	[tilespmem:s11], [sflag:$0x1] =	stream.indirect.gather [hbm4b:s2+s6], $0x80, s10, s6, $0xb8;
	[tilespmem:$0xB600] =	vst v63  }
0x26: {  	_ =	swait.ge [sflag:s12], $0x3C00  }
0x27: {  	[sflag:s12] =	ssyncset.done $0x0  }
0x28: {  	[sflag:s12] =	ssyncadd.s32 $0xFFFFC400  }
0x29: {  	_ =	swait.ge [sflag:s12], $0x3C00  }
0x2a: {  	[sflag:s12] =	ssyncset.done $0x0  }
0x2b: {  	[sflag:s12] =	ssyncadd.s32 $0xFFFFC400  }
0x2c: {  	_ =	swait.ge [sflag:s12], $0x3C00  }
.Ltmp1:
0x2d: {  	[sflag:s12] =	ssyncset.done $0x0;
	(pc) =	sbr.rel @p0 .LBB2_1-.Ltmp1, $4  }
0x2e: {  	[sflag:s12] =	ssyncadd.s32 $0xFFFFC400  }
0x2f: {  	[hbm4b:s13+s3] =	stream.linear.scatter [tilespmem:s7], [sflag:$0x2], $0xB400, $0x38;
	[tilespmem:$0xB600] =	vst v63  }
0x30: {  	_ =	swait.ge [sflag:s4], $0xB400  }
0x31: {  	[sflag:s4] =	ssyncset.done $0x0  }
.LBB2_2:
0x32: {  	[sflag:s4] =	ssyncadd.s32 $0xFFFF4C00  }
0x33: {  	_ =	sfence.sel $0x180000  }
0x34: {  	[bflag:$0x0] =	sbarrier.arrive $0xFFFF  }
0x35: {  	p0 =	sne.s32 s0, $0x0;
	_ =	strace $0x90000047  }
0x36: {  	s0 =	sadd.s32 @!p0 $0x100000, s1;
	[bflag:$0x2] =	sbarrier.arrive $0xFFFF  }
0x37: {  	[sflag:s0] =	ssyncadd.tile.s32 @!p0 $0x1;
	_ =	shalt  }
.Lfunc_end2:
_tile_overlayer_lowered:
.L_overlay_start_2:
0x38: {  	(tag) =	ssettag $0x2  }
0x39: {  	s0 =	rddreg [dreg:$0x0];
	s2 =	stileid.u32  }
0x3a: {  	s1 =	rddreg [dreg:$0x1];
	p0 =	sne.s32 s2, $0x0  }
0x3b: {  	s3 =	rddreg [dreg:$0x2];
	[bflag:$0x3] =	sbarrier.arrive $0xFFFF;
	s2 =	simm.s32 @!p0 $0x1C02  }
0x3c: {  	[timem:s3], [sflag:s2] =	dma.local @!p0 [hbm:s0], s1  }
0x3d: {  	s0 =	simm.s32 @!p0 $0x2  }
0x3e: {  	_ =	swait.ge @!p0 [sflag:s0], s1  }
0x3f: {  	s1 =	ssub.s32 @!p0 $0x0, s1;
	[sflag:s0] =	ssyncset.done @!p0 $0x0  }
0x40: {  	[sflag:s0] =	ssyncadd.s32 @!p0 s1  }
0x41: {  	[bflag:$0x3] =	sbarrier.arrive $0xFFFF  }
0x42: {  	_ =	shalt  }

// kernel: kernel.13.cloned.1.call-start
scs
__scs_entry_jumppad:
0x0: {  	(pc) =	sbr.rel $0x88, $3  }
0x1: {  	(tag) =	ssettag $0x0;
	lr =	simm.s32 $0x1  }
0x2: {  	[smem:$0x3F9F] =	sst lr;
	_ =	strace $0xD0000000  }
0x3: {  	_ = 	snop  }
0x4: {  	_ = 	snop  }
0x5: {  	_ = 	snop  }
0x6: {  	_ = 	snop  }
0x7: {  	_ = 	snop  }
__scs_overlays_trampoline_lowered:
0x8: {  	[smem:$0x3FAE] =	sst s0  }
0x9: {  	[smem:$0x3FAF] =	sst s1  }
0xa: {  	[smem:$0x3FB0] =	sst s2  }
0xb: {  	[smem:$0x3FB1] =	sst s3  }
0xc: {  	[smem:$0x3FB2] =	sst s4  }
0xd: {  	[smem:$0x3FB3] =	sst s5  }
0xe: {  	[smem:$0x3FB4] =	sst s6  }
0xf: {  	[smem:$0x3FB5] =	sst s7  }
0x10: {  	[smem:$0x3FB6] =	sst s8  }
0x11: {  	[smem:$0x3FB7] =	sst s9;
	s0 =	simm.s32 @!p0 $0x0  }
0x12: {  	s1 =	sld [smem:$0x3F9D];
	s0 =	simm.s32 @p0 $0x1  }
0x13: {  	[smem:$0x3FB8] =	sst s0;
	s0 =	simm.s32 @!p1 $0x0  }
0x14: {  	s2 =	sld [smem:$0x3F9C];
	s0 =	simm.s32 @p1 $0x1  }
0x15: {  	[smem:$0x3FB9] =	sst s0;
	s0 =	simm.s32 @!p2 $0x0  }
0x16: {  	s3 =	sld [smem:$0x3FDB];
	s0 =	simm.s32 @p2 $0x1  }
0x17: {  	s4 =	simm.s32 $0x1BF5;
	[smem:$0x3FBB] =	sst s0  }
0x18: {  	s0 =	sld [smem:$0x3F9E];
	_ =	swait.ge [sflag:s4], $0x0  }
0x19: {  	s7 =	sld [smem:$0x3F9F]  }
0x1a: {  	s8 =	sadd.s32 $0xFFFFE003, lr  }
0x1b: {  	s9 =	sadd.s32 $0xFFFFFEF7, lr;
	s5 =	simm.s32 $0xFFFFFFFF;
	p2 =	slt.u32 s8, $0xFFFFF086  }
0x1c: {  	p1 =	slt.u32 s9, $0xF7A;
	s5 =	simm.s32 @!p2 $0x0  }
0x1d: {  	s5 =	simm.s32 @p1 $0x1;
	p0 =	seq.s32 s7, s2  }
0x1e: {  	s7 =	smul.u32 @!p0 $0xF7A, s2;
	p2 =	seq.s32 @!p0 s5, $0x0  }
0x1f: {  	s9 =	smul.u32 $0xF7A, s1;
	s8 =	simm.s32 @!p0 $0x1BF5;
	p2 =	por !p2, p0  }
0x20: {  	[sflag:s8] =	ssyncset.s32 @!p0 $0xFFFFF086;
	s6 =	sadd.s32 @!p0 s3, s7;
	s7 =	simm.s32 @!p0 $0x108  }
0x21: {  	s3 =	sadd.s32 s3, s9;
	s6 =	sadd.s32 @!p0 $0x88, s6;
	s7 =	simm.s32 @p2 $0x1082  }
0x22: {  	[simem:s7], [sflag:s8] =	dma.local @!p0 [hbm:s6], $0xF7A  }
0x23: {  	s9 =	sor.u32 $0xD0000000, s2;
	s6 =	simm.s32 $0x108;
	_ =	swait.ge @!p0 [sflag:s8], $0x0  }
0x24: {  	s3 =	sadd.s32 $0x88, s3;
	s6 =	simm.s32 @!p1 $0x1082;
	[sflag:s4] =	ssyncset.s32 $0xFFFFF086  }
0x25: {  	[simem:s6], [sflag:s4] =	dma.local [hbm:s3], $0xF7A  }
0x26: {  	[smem:$0x3F9F] =	sst s1;
	(tag) =	ssettag s2;
	_ =	strace s9  }
0x27: {  	s1 =	sld [smem:$0x3FAF]  }
0x28: {  	s2 =	sld [smem:$0x3FB0]  }
0x29: {  	s4 =	sld [smem:$0x3FB2]  }
0x2a: {  	p0 =	seq.s32 s5, $0x0;
	s5 =	sld [smem:$0x3FB3]  }
0x2b: {  	s6 =	sld [smem:$0x3FB4]  }
0x2c: {  	s7 =	sld [smem:$0x3FB5]  }
0x2d: {  	s3 =	simm.s32 $0x108;
	s8 =	sld [smem:$0x3FB6]  }
0x2e: {  	s3 =	simm.s32 @!p0 $0x1082;
	s9 =	sld [smem:$0x3FB7]  }
0x2f: {  	lr =	sadd.s32 s0, s3;
	s0 =	sld [smem:$0x3FAE]  }
0x30: {  	s3 =	sld [smem:$0x3FB1]  }
0x31: {  	[smem:$0x3FBA] =	sst s10  }
0x32: {  	s10 =	sld [smem:$0x3FB8];
	_ =	sdelay $0x3  }
0x33: {  	p0 =	seq.s32 s10, $0x1;
	s10 =	sld [smem:$0x3FBA];
	_ =	sdelay $0x3  }
0x34: {  	[smem:$0x3FBA] =	sst s10  }
0x35: {  	s10 =	sld [smem:$0x3FB9];
	_ =	sdelay $0x3  }
0x36: {  	p1 =	seq.s32 s10, $0x1;
	s10 =	sld [smem:$0x3FBA];
	_ =	sdelay $0x3  }
0x37: {  	[smem:$0x3FBA] =	sst s10  }
0x38: {  	s10 =	sld [smem:$0x3FBB]  }
0x39: {  	_ = 	snop;
	(pc) =	sbr.ind lr, $3  }
0x3a: {  	_ = 	snop  }
0x3b: {  	_ = 	snop  }
0x3c: {  	p2 =	seq.s32 s10, $0x1;
	s10 =	sld [smem:$0x3FBA]  }
0x3d: {  	_ =	shalt  }
0x3e: {  	_ =	shalt  }
0x3f: {  	_ =	shalt  }
0x40: {  	_ =	shalt  }
0x41: {  	_ =	shalt  }
0x42: {  	_ =	shalt  }
0x43: {  	_ =	shalt  }
0x44: {  	_ =	shalt  }
0x45: {  	_ =	shalt  }
0x46: {  	_ =	shalt  }
0x47: {  	_ =	shalt  }
0x48: {  	_ =	shalt  }
0x49: {  	_ =	shalt  }
0x4a: {  	_ =	shalt  }
0x4b: {  	_ =	shalt  }
0x4c: {  	_ =	shalt  }
0x4d: {  	_ =	shalt  }
0x4e: {  	_ =	shalt  }
0x4f: {  	_ =	shalt  }
0x50: {  	_ =	shalt  }
0x51: {  	_ =	shalt  }
0x52: {  	_ =	shalt  }
0x53: {  	_ =	shalt  }
0x54: {  	_ =	shalt  }
0x55: {  	_ =	shalt  }
0x56: {  	_ =	shalt  }
0x57: {  	_ =	shalt  }
0x58: {  	_ =	shalt  }
0x59: {  	_ =	shalt  }
0x5a: {  	_ =	shalt  }
0x5b: {  	_ =	shalt  }
0x5c: {  	_ =	shalt  }
0x5d: {  	_ =	shalt  }
0x5e: {  	_ =	shalt  }
0x5f: {  	_ =	shalt  }
0x60: {  	_ =	shalt  }
0x61: {  	_ =	shalt  }
0x62: {  	_ =	shalt  }
0x63: {  	_ =	shalt  }
0x64: {  	_ =	shalt  }
0x65: {  	_ =	shalt  }
0x66: {  	_ =	shalt  }
0x67: {  	_ =	shalt  }
0x68: {  	_ =	shalt  }
0x69: {  	_ =	shalt  }
0x6a: {  	_ =	shalt  }
0x6b: {  	_ =	shalt  }
0x6c: {  	_ =	shalt  }
0x6d: {  	_ =	shalt  }
0x6e: {  	_ =	shalt  }
0x6f: {  	_ =	shalt  }
0x70: {  	_ =	shalt  }
0x71: {  	_ =	shalt  }
0x72: {  	_ =	shalt  }
0x73: {  	_ =	shalt  }
0x74: {  	_ =	shalt  }
0x75: {  	_ =	shalt  }
0x76: {  	_ =	shalt  }
0x77: {  	_ =	shalt  }
0x78: {  	_ =	shalt  }
0x79: {  	_ =	shalt  }
0x7a: {  	_ =	shalt  }
0x7b: {  	_ =	shalt  }
0x7c: {  	_ =	shalt  }
0x7d: {  	_ =	shalt  }
0x7e: {  	_ =	shalt  }
0x7f: {  	_ =	shalt  }
0x80: {  	_ =	shalt  }
0x81: {  	_ =	shalt  }
0x82: {  	_ =	shalt  }
0x83: {  	_ =	shalt  }
0x84: {  	_ =	shalt  }
0x85: {  	_ =	shalt  }
0x86: {  	_ =	shalt  }
0x87: {  	_ =	shalt  }
.Lfunc_end0:
.L_simem_size_0:
called_computation.1_lowered:
.L_overlay_start_0:
0x88: {  	s2 =	sld [smem:$0x3FD9]  }
0x89: {  	s3 =	sld [smem:$0x3FFE];
	_ =	sdelay $0x1  }
0x8a: {  	s1 =	srdreg.scid  }
0x8b: {  	s0 =	sand.u32 $0x1, s1  }
0x8c: {  	s17 =	sshll.u32 s0, $0xA;
	s2 =	sadd.s32 s3, s2  }
0x8d: {  	s2 =	sadd.s32 s2, s17  }
0x8e: {  	[smem:$0x3FC6] =	sst s2  }
0x8f: {  	_ = 	snop  }
0x90: {  	s2 =	sld [smem:$0x3FD0];
	(tm) =	ssettm $0x1  }
0x91: {  	s18 =	sld [smem:$0x3FFB];
	_ =	sdelay $0x3  }
0x92: {  	_ =	strace s18  }
0x93: {  	s3 =	sld [smem:$0x3FFC];
	_ =	sdelay $0x3  }
0x94: {  	_ =	strace s3  }
0x95: {  	s3 =	sld [smem:$0x3FFD];
	_ =	sdelay $0x3  }
0x96: {  	_ =	strace s3  }
0x97: {  	_ =	strace $0x8FFFFFFF  }
0x98: {  	s19 =	sld [smem:$0x3FDB];
	_ =	sdelay $0x1  }
0x99: {  	s4 =	simm.s32 $_scs_section_size  }
0x9a: {  	s5 =	simm.s32 $_size__tile_overlayer_lowered;
	s6 =	simm.s32 $_tile_overlayer_lowered  }
0x9b: {  	s22 =	simm.s32 $0x1BFF;
	s21 =	sshll.u32 s6, $0x1;
	s3 =	sadd.s32 s4, s19  }
0x9c: {  	s7 =	simm.s32 $0x0;
	s20 =	sshll.u32 s5, $0x1;
	s5 =	sadd.s32 s21, s3  }
0x9d: {  	[timem:s7], [sflag:s22] =	dma.local [hbm:s5], s20  }
0x9e: {  	_ =	swait.ge [sflag:s22], s20  }
0x9f: {  	s4 =	ssub.s32 $0x0, s20;
	[sflag:s22] =	ssyncset.done $0x0  }
0xa0: {  	[sflag:s22] =	ssyncadd.s32 s4;
	_ =	sdelay $0x1  }
0xa1: {  	s23 =	simm.s32 $0x1B8B  }
0xa2: {  	_ =	swait.ge [sflag:s23], $0x1  }
0xa3: {  	[sflag:s23] =	ssyncset.done $0x0  }
0xa4: {  	s25 =	simm.s32 $0x1B8E;
	s24 =	sld [smem:$0x3FFE];
	[sflag:s23] =	ssyncadd.s32 $0xFFFFFFFF  }
0xa5: {  	s26 =	simm.s32 $execute0_lowered;
	[smem:$0x3FD2] =	sst s25  }
0xa6: {  	s5 =	sshll.u32 s26, $0x1;
	_ =	strace $0x80000049;
	[dreg:$0x1] =	wrdreg $0xFFFFFFFF  }
0xa7: {  	s28 =	simm.s32 $_size_execute0_lowered;
	s3 =	sadd.s32 s3, s5;
	[dreg:$0x0] =	wrdreg $0x0  }
0xa8: {  	s5 =	sshll.u32 s28, $0x1;
	[dreg:$0x2] =	wrdreg s3  }
0xa9: {  	[dreg:$0x3] =	wrdreg s5  }
0xaa: {  	[dreg:$0x4] =	wrdreg $0xC0  }
0xab: {  	_ =	task [dreg:s7], $0x5FFFF  }
0xac: {  	[dreg:$0x1] =	wrdreg $0xFFFFFFFF  }
0xad: {  	[dreg:$0x0] =	wrdreg $0x60  }
0xae: {  	[dreg:$0x2] =	wrdreg s2  }
0xaf: {  	[dreg:$0x3] =	wrdreg s24  }
0xb0: {  	[dreg:$0x4] =	wrdreg $0x9  }
0xb1: {  	_ =	task.clear_ibuf [dreg:s7], $0x5FFFF;
	_ =	strace $0x90000049  }
0xb2: {  	s29 =	simm.s32 $0x9;
	_ =	strace $0x8000004B  }
0xb3: {  	_ =	swait.ge [sflag:s29], $0x1  }
0xb4: {  	[sflag:s29] =	ssyncadd.s32 $0xFFFFFFFF  }
0xb5: {  	_ =	strace $0x9000004B  }
0xb6: {  	_ =	sfence  }
0xb7: {  	s30 =	sld [smem:$0x0];
	_ =	sdelay $0x2  }
0xb8: {  	s31 =	sshll.u32 s1, $0xD;
	s1 =	sshrl.u32 s1, $0x2  }
0xb9: {  	s3 =	sand.u32 $0x4000, s31;
	s1 =	sadd.s32 s1, s30  }
0xba: {  	s0 =	sor.u32 s3, s0;
	s1 =	sshll.u32 s1, $0x11  }
0xbb: {  	s0 =	sor.u32 s1, s0  }
0xbc: {  	s0 =	sadd.s32 $0x8F2B, s0  }
0xbd: {  	[sflag:s0] =	ssyncadd.remote.s32 $0x1  }
0xbe: {  	_ =	sfence.sel $0xFFFF  }
0xbf: {  	[dreg:$0x0] =	wrdreg $0xFFFFFFFF;
	(pc) =	sbr.abs _section_cstart, $3  }
0xc0: {  	[dreg:$0x1] =	wrdreg $0xFFFFFFFF  }
0xc1: {  	_ =	task.clear_ibuf [dreg:s7], $0x2FFFF;
	_ =	strace $0x9FFFFFFF  }
0xc2: {  	(tm) =	ssettm $0x7FFFFFFF  }
0xc3: {  	_ =	shalt  }
tec
execute0_lowered:
.L_overlay_start_1:
0x0: {  	(tag) =	ssettag $0x1  }
0x1: {  	s1 =	srdreg.scid;
	s0 =	stileid.u32  }
0x2: {  	s2 =	rddreg [dreg:$0x0];
	s13 =	sand.u32 $0x1, s1;
	s29 =	sshll.u32 s0, $0x1  }
0x3: {  	s14 =	rddreg [dreg:$0x1];
	s15 =	sor.u32 s13, s29  }
0x4: {  	s3 =	simm.s32 $0x0;
	s1 =	rddreg [dreg:$0x2];
	s4 =	sshll.u32 s15, $0x6  }
0x5: {  	[smem:$0x7FF] =	sst s3;
	s4 =	sadd.s32 s4, s14  }
0x6: {  	_ =	strace $0x8000004A;
	s5 =	sadd.s32 $0x90800, s4;
	s4 =	simm.s32 $0x2  }
0x7: {  	[tilespmem:s3], [sflag:$0x2] =	stream.linear.gather [hbm4b:s5+s3], $0x180, $0x38;
	[tilespmem:$0x9200] =	vst v63  }
0x8: {  	_ =	swait.ge [sflag:s4], $0x180  }
0x9: {  	[sflag:s4] =	ssyncset.done $0x0  }
0xa: {  	s6 =	simm.s32 $0x60;
	s7 =	simm.s32 $0x200;
	[sflag:s4] =	ssyncadd.s32 $0xFFFFFE80  }
0xb: {  	[tilespmem:s7], [sflag:$0x1] =	stream.indirect.gather [hbm4b:s2+s6], $0x80, s3, s6, $0xb8;
	[tilespmem:$0x9200] =	vst v63  }
0xc: {  	s8 =	simm.s32 $0x80;
	s9 =	simm.s32 $0x3200  }
0xd: {  	[tilespmem:s9], [sflag:$0x1] =	stream.indirect.gather [hbm4b:s2+s6], $0x80, s8, s6, $0xb8;
	[tilespmem:$0x9200] =	vst v63  }
0xe: {  	s10 =	simm.s32 $0x100;
	s11 =	simm.s32 $0x6200;
	s12 =	simm.s32 $0x1  }
0xf: {  	[tilespmem:s11], [sflag:$0x1] =	stream.indirect.gather [hbm4b:s2+s6], $0x80, s10, s6, $0xb8;
	[tilespmem:$0x9200] =	vst v63  }
0x10: {  	_ =	swait.ge [sflag:s12], $0x3000  }
0x11: {  	[sflag:s12] =	ssyncset.done $0x0  }
0x12: {  	s13 =	ssub.s32 $0x2, s13;
	[sflag:s12] =	ssyncadd.s32 $0xFFFFD000  }
0x13: {  	s16 =	sshrl.u32 s13, $0x1;
	_ =	swait.ge [sflag:s12], $0x3000  }
0x14: {  	s15 =	smul.u32 $0x9000, s15;
	s16 =	ssub.s32 s13, s16;
	[sflag:s12] =	ssyncset.done $0x0  }
0x15: {  	s31 =	smax.u32 s16, $0x1;
	[sflag:s12] =	ssyncadd.s32 $0xFFFFD000  }
0x16: {  	s15 =	sshrl.u32 s15, $0x3;
	p0 =	sne.s32 s31, $0x1;
	_ =	swait.ge [sflag:s12], $0x3000  }
.Ltmp0:
0x17: {  	s30 =	sadd.s32 s14, s15;
	[sflag:s12] =	ssyncset.done $0x0;
	(pc) =	sbr.rel @!p0 .LBB2_2-.Ltmp0, $4  }
0x18: {  	s13 =	sadd.s32 $0x2D800, s30;
	[sflag:s12] =	ssyncadd.s32 $0xFFFFD000  }
0x19: {  	[hbm4b:s13+s3] =	stream.linear.scatter [tilespmem:s7], [sflag:$0x2], $0x9000, $0x38;
	[tilespmem:$0x9200] =	vst v63  }
0x1a: {  	_ =	swait.ge [sflag:s4], $0x9000  }
0x1b: {  	s14 =	sadd.s32 $0xFFFFFFFF, s31;
	[sflag:s4] =	ssyncset.done $0x0  }
.LBB2_1:
0x1c: {  	p0 =	sne.s32 s14, $0x1;
	s14 =	sadd.s32 $0xFFFFFFFF, s14;
	[sflag:s4] =	ssyncadd.s32 $0xFFFF7000  }
0x1d: {  	[tilespmem:s3], [sflag:$0x2] =	stream.linear.gather [hbm4b:s5+s3], $0x180, $0x38;
	[tilespmem:$0x9200] =	vst v63  }
0x1e: {  	_ =	swait.ge [sflag:s4], $0x180  }
0x1f: {  	[sflag:s4] =	ssyncset.done $0x0  }
0x20: {  	[sflag:s4] =	ssyncadd.s32 $0xFFFFFE80  }
0x21: {  	[tilespmem:s7], [sflag:$0x1] =	stream.indirect.gather [hbm4b:s2+s6], $0x80, s3, s6, $0xb8;
	[tilespmem:$0x9200] =	vst v63  }
0x22: {  	_ = 	snop  }
0x23: {  	[tilespmem:s9], [sflag:$0x1] =	stream.indirect.gather [hbm4b:s2+s6], $0x80, s8, s6, $0xb8;
	[tilespmem:$0x9200] =	vst v63  }
0x24: {  	_ = 	snop  }
0x25: {  	[tilespmem:s11], [sflag:$0x1] =	stream.indirect.gather [hbm4b:s2+s6], $0x80, s10, s6, $0xb8;
	[tilespmem:$0x9200] =	vst v63  }
0x26: {  	_ =	swait.ge [sflag:s12], $0x3000  }
0x27: {  	[sflag:s12] =	ssyncset.done $0x0  }
0x28: {  	[sflag:s12] =	ssyncadd.s32 $0xFFFFD000  }
0x29: {  	_ =	swait.ge [sflag:s12], $0x3000  }
0x2a: {  	[sflag:s12] =	ssyncset.done $0x0  }
0x2b: {  	[sflag:s12] =	ssyncadd.s32 $0xFFFFD000  }
0x2c: {  	_ =	swait.ge [sflag:s12], $0x3000  }
.Ltmp1:
0x2d: {  	[sflag:s12] =	ssyncset.done $0x0;
	(pc) =	sbr.rel @p0 .LBB2_1-.Ltmp1, $4  }
0x2e: {  	[sflag:s12] =	ssyncadd.s32 $0xFFFFD000  }
0x2f: {  	[hbm4b:s13+s3] =	stream.linear.scatter [tilespmem:s7], [sflag:$0x2], $0x9000, $0x38;
	[tilespmem:$0x9200] =	vst v63  }
0x30: {  	_ =	swait.ge [sflag:s4], $0x9000  }
0x31: {  	[sflag:s4] =	ssyncset.done $0x0  }
.LBB2_2:
0x32: {  	[sflag:s4] =	ssyncadd.s32 $0xFFFF7000  }
0x33: {  	_ =	sfence.sel $0x180000  }
0x34: {  	[bflag:$0x0] =	sbarrier.arrive $0xFFFF  }
0x35: {  	p0 =	sne.s32 s0, $0x0;
	_ =	strace $0x9000004A  }
0x36: {  	s0 =	sadd.s32 @!p0 $0x100000, s1;
	[bflag:$0x2] =	sbarrier.arrive $0xFFFF  }
0x37: {  	[sflag:s0] =	ssyncadd.tile.s32 @!p0 $0x1;
	_ =	shalt  }
.Lfunc_end2:
_tile_overlayer_lowered:
.L_overlay_start_2:
0x38: {  	(tag) =	ssettag $0x2  }
0x39: {  	s0 =	rddreg [dreg:$0x0];
	s2 =	stileid.u32  }
0x3a: {  	s1 =	rddreg [dreg:$0x1];
	p0 =	sne.s32 s2, $0x0  }
0x3b: {  	s3 =	rddreg [dreg:$0x2];
	[bflag:$0x3] =	sbarrier.arrive $0xFFFF;
	s2 =	simm.s32 @!p0 $0x1C02  }
0x3c: {  	[timem:s3], [sflag:s2] =	dma.local @!p0 [hbm:s0], s1  }
0x3d: {  	s0 =	simm.s32 @!p0 $0x2  }
0x3e: {  	_ =	swait.ge @!p0 [sflag:s0], s1  }
0x3f: {  	s1 =	ssub.s32 @!p0 $0x0, s1;
	[sflag:s0] =	ssyncset.done @!p0 $0x0  }
0x40: {  	[sflag:s0] =	ssyncadd.s32 @!p0 s1  }
0x41: {  	[bflag:$0x3] =	sbarrier.arrive $0xFFFF  }
0x42: {  	_ =	shalt  }

// kernel: kernel.16.cloned.1.call-start
scs
__scs_entry_jumppad:
0x0: {  	(pc) =	sbr.rel $0x88, $3  }
0x1: {  	(tag) =	ssettag $0x0;
	lr =	simm.s32 $0x1  }
0x2: {  	[smem:$0x3F9F] =	sst lr;
	_ =	strace $0xD0000000  }
0x3: {  	_ = 	snop  }
0x4: {  	_ = 	snop  }
0x5: {  	_ = 	snop  }
0x6: {  	_ = 	snop  }
0x7: {  	_ = 	snop  }
__scs_overlays_trampoline_lowered:
0x8: {  	[smem:$0x3FAE] =	sst s0  }
0x9: {  	[smem:$0x3FAF] =	sst s1  }
0xa: {  	[smem:$0x3FB0] =	sst s2  }
0xb: {  	[smem:$0x3FB1] =	sst s3  }
0xc: {  	[smem:$0x3FB2] =	sst s4  }
0xd: {  	[smem:$0x3FB3] =	sst s5  }
0xe: {  	[smem:$0x3FB4] =	sst s6  }
0xf: {  	[smem:$0x3FB5] =	sst s7  }
0x10: {  	[smem:$0x3FB6] =	sst s8  }
0x11: {  	[smem:$0x3FB7] =	sst s9;
	s0 =	simm.s32 @!p0 $0x0  }
0x12: {  	s1 =	sld [smem:$0x3F9D];
	s0 =	simm.s32 @p0 $0x1  }
0x13: {  	[smem:$0x3FB8] =	sst s0;
	s0 =	simm.s32 @!p1 $0x0  }
0x14: {  	s2 =	sld [smem:$0x3F9C];
	s0 =	simm.s32 @p1 $0x1  }
0x15: {  	[smem:$0x3FB9] =	sst s0;
	s0 =	simm.s32 @!p2 $0x0  }
0x16: {  	s3 =	sld [smem:$0x3FDB];
	s0 =	simm.s32 @p2 $0x1  }
0x17: {  	s4 =	simm.s32 $0x1BF5;
	[smem:$0x3FBB] =	sst s0  }
0x18: {  	s0 =	sld [smem:$0x3F9E];
	_ =	swait.ge [sflag:s4], $0x0  }
0x19: {  	s7 =	sld [smem:$0x3F9F]  }
0x1a: {  	s8 =	sadd.s32 $0xFFFFE003, lr  }
0x1b: {  	s9 =	sadd.s32 $0xFFFFFEF7, lr;
	s5 =	simm.s32 $0xFFFFFFFF;
	p2 =	slt.u32 s8, $0xFFFFF086  }
0x1c: {  	p1 =	slt.u32 s9, $0xF7A;
	s5 =	simm.s32 @!p2 $0x0  }
0x1d: {  	s5 =	simm.s32 @p1 $0x1;
	p0 =	seq.s32 s7, s2  }
0x1e: {  	s7 =	smul.u32 @!p0 $0xF7A, s2;
	p2 =	seq.s32 @!p0 s5, $0x0  }
0x1f: {  	s9 =	smul.u32 $0xF7A, s1;
	s8 =	simm.s32 @!p0 $0x1BF5;
	p2 =	por !p2, p0  }
0x20: {  	[sflag:s8] =	ssyncset.s32 @!p0 $0xFFFFF086;
	s6 =	sadd.s32 @!p0 s3, s7;
	s7 =	simm.s32 @!p0 $0x108  }
0x21: {  	s3 =	sadd.s32 s3, s9;
	s6 =	sadd.s32 @!p0 $0x88, s6;
	s7 =	simm.s32 @p2 $0x1082  }
0x22: {  	[simem:s7], [sflag:s8] =	dma.local @!p0 [hbm:s6], $0xF7A  }
0x23: {  	s9 =	sor.u32 $0xD0000000, s2;
	s6 =	simm.s32 $0x108;
	_ =	swait.ge @!p0 [sflag:s8], $0x0  }
0x24: {  	s3 =	sadd.s32 $0x88, s3;
	s6 =	simm.s32 @!p1 $0x1082;
	[sflag:s4] =	ssyncset.s32 $0xFFFFF086  }
0x25: {  	[simem:s6], [sflag:s4] =	dma.local [hbm:s3], $0xF7A  }
0x26: {  	[smem:$0x3F9F] =	sst s1;
	(tag) =	ssettag s2;
	_ =	strace s9  }
0x27: {  	s1 =	sld [smem:$0x3FAF]  }
0x28: {  	s2 =	sld [smem:$0x3FB0]  }
0x29: {  	s4 =	sld [smem:$0x3FB2]  }
0x2a: {  	p0 =	seq.s32 s5, $0x0;
	s5 =	sld [smem:$0x3FB3]  }
0x2b: {  	s6 =	sld [smem:$0x3FB4]  }
0x2c: {  	s7 =	sld [smem:$0x3FB5]  }
0x2d: {  	s3 =	simm.s32 $0x108;
	s8 =	sld [smem:$0x3FB6]  }
0x2e: {  	s3 =	simm.s32 @!p0 $0x1082;
	s9 =	sld [smem:$0x3FB7]  }
0x2f: {  	lr =	sadd.s32 s0, s3;
	s0 =	sld [smem:$0x3FAE]  }
0x30: {  	s3 =	sld [smem:$0x3FB1]  }
0x31: {  	[smem:$0x3FBA] =	sst s10  }
0x32: {  	s10 =	sld [smem:$0x3FB8];
	_ =	sdelay $0x3  }
0x33: {  	p0 =	seq.s32 s10, $0x1;
	s10 =	sld [smem:$0x3FBA];
	_ =	sdelay $0x3  }
0x34: {  	[smem:$0x3FBA] =	sst s10  }
0x35: {  	s10 =	sld [smem:$0x3FB9];
	_ =	sdelay $0x3  }
0x36: {  	p1 =	seq.s32 s10, $0x1;
	s10 =	sld [smem:$0x3FBA];
	_ =	sdelay $0x3  }
0x37: {  	[smem:$0x3FBA] =	sst s10  }
0x38: {  	s10 =	sld [smem:$0x3FBB]  }
0x39: {  	_ = 	snop;
	(pc) =	sbr.ind lr, $3  }
0x3a: {  	_ = 	snop  }
0x3b: {  	_ = 	snop  }
0x3c: {  	p2 =	seq.s32 s10, $0x1;
	s10 =	sld [smem:$0x3FBA]  }
0x3d: {  	_ =	shalt  }
0x3e: {  	_ =	shalt  }
0x3f: {  	_ =	shalt  }
0x40: {  	_ =	shalt  }
0x41: {  	_ =	shalt  }
0x42: {  	_ =	shalt  }
0x43: {  	_ =	shalt  }
0x44: {  	_ =	shalt  }
0x45: {  	_ =	shalt  }
0x46: {  	_ =	shalt  }
0x47: {  	_ =	shalt  }
0x48: {  	_ =	shalt  }
0x49: {  	_ =	shalt  }
0x4a: {  	_ =	shalt  }
0x4b: {  	_ =	shalt  }
0x4c: {  	_ =	shalt  }
0x4d: {  	_ =	shalt  }
0x4e: {  	_ =	shalt  }
0x4f: {  	_ =	shalt  }
0x50: {  	_ =	shalt  }
0x51: {  	_ =	shalt  }
0x52: {  	_ =	shalt  }
0x53: {  	_ =	shalt  }
0x54: {  	_ =	shalt  }
0x55: {  	_ =	shalt  }
0x56: {  	_ =	shalt  }
0x57: {  	_ =	shalt  }
0x58: {  	_ =	shalt  }
0x59: {  	_ =	shalt  }
0x5a: {  	_ =	shalt  }
0x5b: {  	_ =	shalt  }
0x5c: {  	_ =	shalt  }
0x5d: {  	_ =	shalt  }
0x5e: {  	_ =	shalt  }
0x5f: {  	_ =	shalt  }
0x60: {  	_ =	shalt  }
0x61: {  	_ =	shalt  }
0x62: {  	_ =	shalt  }
0x63: {  	_ =	shalt  }
0x64: {  	_ =	shalt  }
0x65: {  	_ =	shalt  }
0x66: {  	_ =	shalt  }
0x67: {  	_ =	shalt  }
0x68: {  	_ =	shalt  }
0x69: {  	_ =	shalt  }
0x6a: {  	_ =	shalt  }
0x6b: {  	_ =	shalt  }
0x6c: {  	_ =	shalt  }
0x6d: {  	_ =	shalt  }
0x6e: {  	_ =	shalt  }
0x6f: {  	_ =	shalt  }
0x70: {  	_ =	shalt  }
0x71: {  	_ =	shalt  }
0x72: {  	_ =	shalt  }
0x73: {  	_ =	shalt  }
0x74: {  	_ =	shalt  }
0x75: {  	_ =	shalt  }
0x76: {  	_ =	shalt  }
0x77: {  	_ =	shalt  }
0x78: {  	_ =	shalt  }
0x79: {  	_ =	shalt  }
0x7a: {  	_ =	shalt  }
0x7b: {  	_ =	shalt  }
0x7c: {  	_ =	shalt  }
0x7d: {  	_ =	shalt  }
0x7e: {  	_ =	shalt  }
0x7f: {  	_ =	shalt  }
0x80: {  	_ =	shalt  }
0x81: {  	_ =	shalt  }
0x82: {  	_ =	shalt  }
0x83: {  	_ =	shalt  }
0x84: {  	_ =	shalt  }
0x85: {  	_ =	shalt  }
0x86: {  	_ =	shalt  }
0x87: {  	_ =	shalt  }
.Lfunc_end0:
.L_simem_size_0:
called_computation.2_lowered:
.L_overlay_start_0:
0x88: {  	s2 =	sld [smem:$0x3FD9]  }
0x89: {  	s3 =	sld [smem:$0x3FFE];
	_ =	sdelay $0x1  }
0x8a: {  	s1 =	srdreg.scid  }
0x8b: {  	s0 =	sand.u32 $0x1, s1  }
0x8c: {  	s17 =	sshll.u32 s0, $0xA;
	s2 =	sadd.s32 s3, s2  }
0x8d: {  	s2 =	sadd.s32 s2, s17  }
0x8e: {  	[smem:$0x3FC6] =	sst s2  }
0x8f: {  	_ = 	snop  }
0x90: {  	s2 =	sld [smem:$0x3FD0];
	(tm) =	ssettm $0x1  }
0x91: {  	s18 =	sld [smem:$0x3FFB];
	_ =	sdelay $0x3  }
0x92: {  	_ =	strace s18  }
0x93: {  	s3 =	sld [smem:$0x3FFC];
	_ =	sdelay $0x3  }
0x94: {  	_ =	strace s3  }
0x95: {  	s3 =	sld [smem:$0x3FFD];
	_ =	sdelay $0x3  }
0x96: {  	_ =	strace s3  }
0x97: {  	_ =	strace $0x8FFFFFFF  }
0x98: {  	s19 =	sld [smem:$0x3FDB];
	_ =	sdelay $0x1  }
0x99: {  	s4 =	simm.s32 $_scs_section_size  }
0x9a: {  	s5 =	simm.s32 $_size__tile_overlayer_lowered;
	s6 =	simm.s32 $_tile_overlayer_lowered  }
0x9b: {  	s22 =	simm.s32 $0x1BFF;
	s21 =	sshll.u32 s6, $0x1;
	s3 =	sadd.s32 s4, s19  }
0x9c: {  	s7 =	simm.s32 $0x0;
	s20 =	sshll.u32 s5, $0x1;
	s5 =	sadd.s32 s21, s3  }
0x9d: {  	[timem:s7], [sflag:s22] =	dma.local [hbm:s5], s20  }
0x9e: {  	_ =	swait.ge [sflag:s22], s20  }
0x9f: {  	s4 =	ssub.s32 $0x0, s20;
	[sflag:s22] =	ssyncset.done $0x0  }
0xa0: {  	[sflag:s22] =	ssyncadd.s32 s4;
	_ =	sdelay $0x1  }
0xa1: {  	s23 =	simm.s32 $0x1B8B  }
0xa2: {  	_ =	swait.ge [sflag:s23], $0x1  }
0xa3: {  	[sflag:s23] =	ssyncset.done $0x0  }
0xa4: {  	s25 =	simm.s32 $0x1B8E;
	s24 =	sld [smem:$0x3FFE];
	[sflag:s23] =	ssyncadd.s32 $0xFFFFFFFF  }
0xa5: {  	s26 =	simm.s32 $execute0_lowered;
	[smem:$0x3FD2] =	sst s25  }
0xa6: {  	s5 =	sshll.u32 s26, $0x1;
	_ =	strace $0x8000004C;
	[dreg:$0x1] =	wrdreg $0xFFFFFFFF  }
0xa7: {  	s28 =	simm.s32 $_size_execute0_lowered;
	s3 =	sadd.s32 s3, s5;
	[dreg:$0x0] =	wrdreg $0x0  }
0xa8: {  	s5 =	sshll.u32 s28, $0x1;
	[dreg:$0x2] =	wrdreg s3  }
0xa9: {  	[dreg:$0x3] =	wrdreg s5  }
0xaa: {  	[dreg:$0x4] =	wrdreg $0xC0  }
0xab: {  	_ =	task [dreg:s7], $0x5FFFF  }
0xac: {  	[dreg:$0x1] =	wrdreg $0xFFFFFFFF  }
0xad: {  	[dreg:$0x0] =	wrdreg $0x60  }
0xae: {  	[dreg:$0x2] =	wrdreg s2  }
0xaf: {  	[dreg:$0x3] =	wrdreg s24  }
0xb0: {  	[dreg:$0x4] =	wrdreg $0x9  }
0xb1: {  	_ =	task.clear_ibuf [dreg:s7], $0x5FFFF;
	_ =	strace $0x9000004C  }
0xb2: {  	s29 =	simm.s32 $0x9;
	_ =	strace $0x8000004E  }
0xb3: {  	_ =	swait.ge [sflag:s29], $0x1  }
0xb4: {  	[sflag:s29] =	ssyncadd.s32 $0xFFFFFFFF  }
0xb5: {  	_ =	strace $0x9000004E  }
0xb6: {  	_ =	sfence  }
0xb7: {  	s30 =	sld [smem:$0x0];
	_ =	sdelay $0x2  }
0xb8: {  	s31 =	sshll.u32 s1, $0xD;
	s1 =	sshrl.u32 s1, $0x2  }
0xb9: {  	s3 =	sand.u32 $0x4000, s31;
	s1 =	sadd.s32 s1, s30  }
0xba: {  	s0 =	sor.u32 s3, s0;
	s1 =	sshll.u32 s1, $0x11  }
0xbb: {  	s0 =	sor.u32 s1, s0  }
0xbc: {  	s0 =	sadd.s32 $0x8F2B, s0  }
0xbd: {  	[sflag:s0] =	ssyncadd.remote.s32 $0x1  }
0xbe: {  	_ =	sfence.sel $0xFFFF  }
0xbf: {  	[dreg:$0x0] =	wrdreg $0xFFFFFFFF;
	(pc) =	sbr.abs _section_cstart, $3  }
0xc0: {  	[dreg:$0x1] =	wrdreg $0xFFFFFFFF  }
0xc1: {  	_ =	task.clear_ibuf [dreg:s7], $0x2FFFF;
	_ =	strace $0x9FFFFFFF  }
0xc2: {  	(tm) =	ssettm $0x7FFFFFFF  }
0xc3: {  	_ =	shalt  }
tec
execute0_lowered:
.L_overlay_start_1:
0x0: {  	(tag) =	ssettag $0x1  }
0x1: {  	s2 =	rddreg [dreg:$0x0]  }
0x2: {  	s1 =	srdreg.scid;
	s0 =	stileid.u32  }
0x3: {  	s13 =	rddreg [dreg:$0x1];
	s14 =	sand.u32 $0x1, s1;
	s4 =	sshll.u32 s0, $0x1  }
0x4: {  	s3 =	simm.s32 $0x0;
	s1 =	rddreg [dreg:$0x2];
	s15 =	sor.u32 s14, s4  }
0x5: {  	[smem:$0x7FF] =	sst s3;
	s4 =	sshll.u32 s15, $0x6  }
0x6: {  	_ =	strace $0x8000004D;
	s5 =	sadd.s32 s13, s4;
	s4 =	simm.s32 $0x2  }
0x7: {  	[tilespmem:s3], [sflag:$0x2] =	stream.linear.gather [hbm4b:s5+s3], $0x180, $0x38;
	[tilespmem:$0x9200] =	vst v63  }
0x8: {  	_ =	swait.ge [sflag:s4], $0x180  }
0x9: {  	[sflag:s4] =	ssyncset.done $0x0  }
0xa: {  	s6 =	simm.s32 $0x60;
	s7 =	simm.s32 $0x200;
	[sflag:s4] =	ssyncadd.s32 $0xFFFFFE80  }
0xb: {  	[tilespmem:s7], [sflag:$0x1] =	stream.indirect.gather [hbm4b:s2+s6], $0x80, s3, s6, $0xb8;
	[tilespmem:$0x9200] =	vst v63  }
0xc: {  	s8 =	simm.s32 $0x80;
	s9 =	simm.s32 $0x3200  }
0xd: {  	[tilespmem:s9], [sflag:$0x1] =	stream.indirect.gather [hbm4b:s2+s6], $0x80, s8, s6, $0xb8;
	[tilespmem:$0x9200] =	vst v63  }
0xe: {  	s10 =	simm.s32 $0x100;
	s11 =	simm.s32 $0x6200;
	s12 =	simm.s32 $0x1  }
0xf: {  	[tilespmem:s11], [sflag:$0x1] =	stream.indirect.gather [hbm4b:s2+s6], $0x80, s10, s6, $0xb8;
	[tilespmem:$0x9200] =	vst v63  }
0x10: {  	_ =	swait.ge [sflag:s12], $0x3000  }
0x11: {  	[sflag:s12] =	ssyncset.done $0x0  }
0x12: {  	s14 =	ssub.s32 $0x2, s14;
	[sflag:s12] =	ssyncadd.s32 $0xFFFFD000  }
0x13: {  	s16 =	sshrl.u32 s14, $0x1;
	_ =	swait.ge [sflag:s12], $0x3000  }
0x14: {  	s15 =	smul.u32 $0x9000, s15;
	s14 =	ssub.s32 s14, s16;
	[sflag:s12] =	ssyncset.done $0x0  }
0x15: {  	s14 =	smax.u32 s14, $0x1;
	[sflag:s12] =	ssyncadd.s32 $0xFFFFD000  }
0x16: {  	s15 =	sshrl.u32 s15, $0x3;
	p0 =	sne.s32 s14, $0x1;
	_ =	swait.ge [sflag:s12], $0x3000  }
.Ltmp0:
0x17: {  	s13 =	sadd.s32 s13, s15;
	[sflag:s12] =	ssyncset.done $0x0;
	(pc) =	sbr.rel @!p0 .LBB2_2-.Ltmp0, $4  }
0x18: {  	s13 =	sadd.s32 $0x51800, s13;
	[sflag:s12] =	ssyncadd.s32 $0xFFFFD000  }
0x19: {  	[hbm4b:s13+s3] =	stream.linear.scatter [tilespmem:s7], [sflag:$0x2], $0x9000, $0x38;
	[tilespmem:$0x9200] =	vst v63  }
0x1a: {  	_ =	swait.ge [sflag:s4], $0x9000  }
0x1b: {  	s14 =	sadd.s32 $0xFFFFFFFF, s14;
	[sflag:s4] =	ssyncset.done $0x0  }
.LBB2_1:
0x1c: {  	p0 =	sne.s32 s14, $0x1;
	s14 =	sadd.s32 $0xFFFFFFFF, s14;
	[sflag:s4] =	ssyncadd.s32 $0xFFFF7000  }
0x1d: {  	[tilespmem:s3], [sflag:$0x2] =	stream.linear.gather [hbm4b:s5+s3], $0x180, $0x38;
	[tilespmem:$0x9200] =	vst v63  }
0x1e: {  	_ =	swait.ge [sflag:s4], $0x180  }
0x1f: {  	[sflag:s4] =	ssyncset.done $0x0  }
0x20: {  	[sflag:s4] =	ssyncadd.s32 $0xFFFFFE80  }
0x21: {  	[tilespmem:s7], [sflag:$0x1] =	stream.indirect.gather [hbm4b:s2+s6], $0x80, s3, s6, $0xb8;
	[tilespmem:$0x9200] =	vst v63  }
0x22: {  	_ = 	snop  }
0x23: {  	[tilespmem:s9], [sflag:$0x1] =	stream.indirect.gather [hbm4b:s2+s6], $0x80, s8, s6, $0xb8;
	[tilespmem:$0x9200] =	vst v63  }
0x24: {  	_ = 	snop  }
0x25: {  	[tilespmem:s11], [sflag:$0x1] =	stream.indirect.gather [hbm4b:s2+s6], $0x80, s10, s6, $0xb8;
	[tilespmem:$0x9200] =	vst v63  }
0x26: {  	_ =	swait.ge [sflag:s12], $0x3000  }
0x27: {  	[sflag:s12] =	ssyncset.done $0x0  }
0x28: {  	[sflag:s12] =	ssyncadd.s32 $0xFFFFD000  }
0x29: {  	_ =	swait.ge [sflag:s12], $0x3000  }
0x2a: {  	[sflag:s12] =	ssyncset.done $0x0  }
0x2b: {  	[sflag:s12] =	ssyncadd.s32 $0xFFFFD000  }
0x2c: {  	_ =	swait.ge [sflag:s12], $0x3000  }
.Ltmp1:
0x2d: {  	[sflag:s12] =	ssyncset.done $0x0;
	(pc) =	sbr.rel @p0 .LBB2_1-.Ltmp1, $4  }
0x2e: {  	[sflag:s12] =	ssyncadd.s32 $0xFFFFD000  }
0x2f: {  	[hbm4b:s13+s3] =	stream.linear.scatter [tilespmem:s7], [sflag:$0x2], $0x9000, $0x38;
	[tilespmem:$0x9200] =	vst v63  }
0x30: {  	_ =	swait.ge [sflag:s4], $0x9000  }
0x31: {  	[sflag:s4] =	ssyncset.done $0x0  }
.LBB2_2:
0x32: {  	[sflag:s4] =	ssyncadd.s32 $0xFFFF7000  }
0x33: {  	_ =	sfence.sel $0x180000  }
0x34: {  	[bflag:$0x0] =	sbarrier.arrive $0xFFFF  }
0x35: {  	p0 =	sne.s32 s0, $0x0;
	_ =	strace $0x9000004D  }
0x36: {  	s0 =	sadd.s32 @!p0 $0x100000, s1;
	[bflag:$0x2] =	sbarrier.arrive $0xFFFF  }
0x37: {  	[sflag:s0] =	ssyncadd.tile.s32 @!p0 $0x1;
	_ =	shalt  }
.Lfunc_end2:
_tile_overlayer_lowered:
.L_overlay_start_2:
0x38: {  	(tag) =	ssettag $0x2  }
0x39: {  	s0 =	rddreg [dreg:$0x0];
	s2 =	stileid.u32  }
0x3a: {  	s1 =	rddreg [dreg:$0x1];
	p0 =	sne.s32 s2, $0x0  }
0x3b: {  	s3 =	rddreg [dreg:$0x2];
	[bflag:$0x3] =	sbarrier.arrive $0xFFFF;
	s2 =	simm.s32 @!p0 $0x1C02  }
0x3c: {  	[timem:s3], [sflag:s2] =	dma.local @!p0 [hbm:s0], s1  }
0x3d: {  	s0 =	simm.s32 @!p0 $0x2  }
0x3e: {  	_ =	swait.ge @!p0 [sflag:s0], s1  }
0x3f: {  	s1 =	ssub.s32 @!p0 $0x0, s1;
	[sflag:s0] =	ssyncset.done @!p0 $0x0  }
0x40: {  	[sflag:s0] =	ssyncadd.s32 @!p0 s1  }
0x41: {  	[bflag:$0x3] =	sbarrier.arrive $0xFFFF  }
0x42: {  	_ =	shalt  }

// kernel: kernel.19.cloned.1.call-start
scs
__scs_entry_jumppad:
0x0: {  	(pc) =	sbr.rel $0x88, $3  }
0x1: {  	(tag) =	ssettag $0x0;
	lr =	simm.s32 $0x1  }
0x2: {  	[smem:$0x3F9F] =	sst lr;
	_ =	strace $0xD0000000  }
0x3: {  	_ = 	snop  }
0x4: {  	_ = 	snop  }
0x5: {  	_ = 	snop  }
0x6: {  	_ = 	snop  }
0x7: {  	_ = 	snop  }
__scs_overlays_trampoline_lowered:
0x8: {  	[smem:$0x3FAE] =	sst s0  }
0x9: {  	[smem:$0x3FAF] =	sst s1  }
0xa: {  	[smem:$0x3FB0] =	sst s2  }
0xb: {  	[smem:$0x3FB1] =	sst s3  }
0xc: {  	[smem:$0x3FB2] =	sst s4  }
0xd: {  	[smem:$0x3FB3] =	sst s5  }
0xe: {  	[smem:$0x3FB4] =	sst s6  }
0xf: {  	[smem:$0x3FB5] =	sst s7  }
0x10: {  	[smem:$0x3FB6] =	sst s8  }
0x11: {  	[smem:$0x3FB7] =	sst s9;
	s0 =	simm.s32 @!p0 $0x0  }
0x12: {  	s1 =	sld [smem:$0x3F9D];
	s0 =	simm.s32 @p0 $0x1  }
0x13: {  	[smem:$0x3FB8] =	sst s0;
	s0 =	simm.s32 @!p1 $0x0  }
0x14: {  	s2 =	sld [smem:$0x3F9C];
	s0 =	simm.s32 @p1 $0x1  }
0x15: {  	[smem:$0x3FB9] =	sst s0;
	s0 =	simm.s32 @!p2 $0x0  }
0x16: {  	s3 =	sld [smem:$0x3FDB];
	s0 =	simm.s32 @p2 $0x1  }
0x17: {  	s4 =	simm.s32 $0x1BF5;
	[smem:$0x3FBB] =	sst s0  }
0x18: {  	s0 =	sld [smem:$0x3F9E];
	_ =	swait.ge [sflag:s4], $0x0  }
0x19: {  	s7 =	sld [smem:$0x3F9F]  }
0x1a: {  	s8 =	sadd.s32 $0xFFFFE003, lr  }
0x1b: {  	s9 =	sadd.s32 $0xFFFFFEF7, lr;
	s5 =	simm.s32 $0xFFFFFFFF;
	p2 =	slt.u32 s8, $0xFFFFF086  }
0x1c: {  	p1 =	slt.u32 s9, $0xF7A;
	s5 =	simm.s32 @!p2 $0x0  }
0x1d: {  	s5 =	simm.s32 @p1 $0x1;
	p0 =	seq.s32 s7, s2  }
0x1e: {  	s7 =	smul.u32 @!p0 $0xF7A, s2;
	p2 =	seq.s32 @!p0 s5, $0x0  }
0x1f: {  	s9 =	smul.u32 $0xF7A, s1;
	s8 =	simm.s32 @!p0 $0x1BF5;
	p2 =	por !p2, p0  }
0x20: {  	[sflag:s8] =	ssyncset.s32 @!p0 $0xFFFFF086;
	s6 =	sadd.s32 @!p0 s3, s7;
	s7 =	simm.s32 @!p0 $0x108  }
0x21: {  	s3 =	sadd.s32 s3, s9;
	s6 =	sadd.s32 @!p0 $0x88, s6;
	s7 =	simm.s32 @p2 $0x1082  }
0x22: {  	[simem:s7], [sflag:s8] =	dma.local @!p0 [hbm:s6], $0xF7A  }
0x23: {  	s9 =	sor.u32 $0xD0000000, s2;
	s6 =	simm.s32 $0x108;
	_ =	swait.ge @!p0 [sflag:s8], $0x0  }
0x24: {  	s3 =	sadd.s32 $0x88, s3;
	s6 =	simm.s32 @!p1 $0x1082;
	[sflag:s4] =	ssyncset.s32 $0xFFFFF086  }
0x25: {  	[simem:s6], [sflag:s4] =	dma.local [hbm:s3], $0xF7A  }
0x26: {  	[smem:$0x3F9F] =	sst s1;
	(tag) =	ssettag s2;
	_ =	strace s9  }
0x27: {  	s1 =	sld [smem:$0x3FAF]  }
0x28: {  	s2 =	sld [smem:$0x3FB0]  }
0x29: {  	s4 =	sld [smem:$0x3FB2]  }
0x2a: {  	p0 =	seq.s32 s5, $0x0;
	s5 =	sld [smem:$0x3FB3]  }
0x2b: {  	s6 =	sld [smem:$0x3FB4]  }
0x2c: {  	s7 =	sld [smem:$0x3FB5]  }
0x2d: {  	s3 =	simm.s32 $0x108;
	s8 =	sld [smem:$0x3FB6]  }
0x2e: {  	s3 =	simm.s32 @!p0 $0x1082;
	s9 =	sld [smem:$0x3FB7]  }
0x2f: {  	lr =	sadd.s32 s0, s3;
	s0 =	sld [smem:$0x3FAE]  }
0x30: {  	s3 =	sld [smem:$0x3FB1]  }
0x31: {  	[smem:$0x3FBA] =	sst s10  }
0x32: {  	s10 =	sld [smem:$0x3FB8];
	_ =	sdelay $0x3  }
0x33: {  	p0 =	seq.s32 s10, $0x1;
	s10 =	sld [smem:$0x3FBA];
	_ =	sdelay $0x3  }
0x34: {  	[smem:$0x3FBA] =	sst s10  }
0x35: {  	s10 =	sld [smem:$0x3FB9];
	_ =	sdelay $0x3  }
0x36: {  	p1 =	seq.s32 s10, $0x1;
	s10 =	sld [smem:$0x3FBA];
	_ =	sdelay $0x3  }
0x37: {  	[smem:$0x3FBA] =	sst s10  }
0x38: {  	s10 =	sld [smem:$0x3FBB]  }
0x39: {  	_ = 	snop;
	(pc) =	sbr.ind lr, $3  }
0x3a: {  	_ = 	snop  }
0x3b: {  	_ = 	snop  }
0x3c: {  	p2 =	seq.s32 s10, $0x1;
	s10 =	sld [smem:$0x3FBA]  }
0x3d: {  	_ =	shalt  }
0x3e: {  	_ =	shalt  }
0x3f: {  	_ =	shalt  }
0x40: {  	_ =	shalt  }
0x41: {  	_ =	shalt  }
0x42: {  	_ =	shalt  }
0x43: {  	_ =	shalt  }
0x44: {  	_ =	shalt  }
0x45: {  	_ =	shalt  }
0x46: {  	_ =	shalt  }
0x47: {  	_ =	shalt  }
0x48: {  	_ =	shalt  }
0x49: {  	_ =	shalt  }
0x4a: {  	_ =	shalt  }
0x4b: {  	_ =	shalt  }
0x4c: {  	_ =	shalt  }
0x4d: {  	_ =	shalt  }
0x4e: {  	_ =	shalt  }
0x4f: {  	_ =	shalt  }
0x50: {  	_ =	shalt  }
0x51: {  	_ =	shalt  }
0x52: {  	_ =	shalt  }
0x53: {  	_ =	shalt  }
0x54: {  	_ =	shalt  }
0x55: {  	_ =	shalt  }
0x56: {  	_ =	shalt  }
0x57: {  	_ =	shalt  }
0x58: {  	_ =	shalt  }
0x59: {  	_ =	shalt  }
0x5a: {  	_ =	shalt  }
0x5b: {  	_ =	shalt  }
0x5c: {  	_ =	shalt  }
0x5d: {  	_ =	shalt  }
0x5e: {  	_ =	shalt  }
0x5f: {  	_ =	shalt  }
0x60: {  	_ =	shalt  }
0x61: {  	_ =	shalt  }
0x62: {  	_ =	shalt  }
0x63: {  	_ =	shalt  }
0x64: {  	_ =	shalt  }
0x65: {  	_ =	shalt  }
0x66: {  	_ =	shalt  }
0x67: {  	_ =	shalt  }
0x68: {  	_ =	shalt  }
0x69: {  	_ =	shalt  }
0x6a: {  	_ =	shalt  }
0x6b: {  	_ =	shalt  }
0x6c: {  	_ =	shalt  }
0x6d: {  	_ =	shalt  }
0x6e: {  	_ =	shalt  }
0x6f: {  	_ =	shalt  }
0x70: {  	_ =	shalt  }
0x71: {  	_ =	shalt  }
0x72: {  	_ =	shalt  }
0x73: {  	_ =	shalt  }
0x74: {  	_ =	shalt  }
0x75: {  	_ =	shalt  }
0x76: {  	_ =	shalt  }
0x77: {  	_ =	shalt  }
0x78: {  	_ =	shalt  }
0x79: {  	_ =	shalt  }
0x7a: {  	_ =	shalt  }
0x7b: {  	_ =	shalt  }
0x7c: {  	_ =	shalt  }
0x7d: {  	_ =	shalt  }
0x7e: {  	_ =	shalt  }
0x7f: {  	_ =	shalt  }
0x80: {  	_ =	shalt  }
0x81: {  	_ =	shalt  }
0x82: {  	_ =	shalt  }
0x83: {  	_ =	shalt  }
0x84: {  	_ =	shalt  }
0x85: {  	_ =	shalt  }
0x86: {  	_ =	shalt  }
0x87: {  	_ =	shalt  }
.Lfunc_end0:
.L_simem_size_0:
called_computation.3_lowered:
.L_overlay_start_0:
0x88: {  	s2 =	sld [smem:$0x3FD9]  }
0x89: {  	s3 =	sld [smem:$0x3FFE];
	_ =	sdelay $0x1  }
0x8a: {  	s1 =	srdreg.scid  }
0x8b: {  	s0 =	sand.u32 $0x1, s1  }
0x8c: {  	s17 =	sshll.u32 s0, $0xA;
	s2 =	sadd.s32 s3, s2  }
0x8d: {  	s2 =	sadd.s32 s2, s17  }
0x8e: {  	[smem:$0x3FC6] =	sst s2  }
0x8f: {  	_ = 	snop  }
0x90: {  	s2 =	sld [smem:$0x3FD0];
	(tm) =	ssettm $0x1  }
0x91: {  	s18 =	sld [smem:$0x3FFB];
	_ =	sdelay $0x3  }
0x92: {  	_ =	strace s18  }
0x93: {  	s3 =	sld [smem:$0x3FFC];
	_ =	sdelay $0x3  }
0x94: {  	_ =	strace s3  }
0x95: {  	s3 =	sld [smem:$0x3FFD];
	_ =	sdelay $0x3  }
0x96: {  	_ =	strace s3  }
0x97: {  	_ =	strace $0x8FFFFFFF  }
0x98: {  	s19 =	sld [smem:$0x3FDB];
	_ =	sdelay $0x1  }
0x99: {  	s4 =	simm.s32 $_scs_section_size  }
0x9a: {  	s5 =	simm.s32 $_size__tile_overlayer_lowered;
	s6 =	simm.s32 $_tile_overlayer_lowered  }
0x9b: {  	s22 =	simm.s32 $0x1BFF;
	s21 =	sshll.u32 s6, $0x1;
	s3 =	sadd.s32 s4, s19  }
0x9c: {  	s7 =	simm.s32 $0x0;
	s20 =	sshll.u32 s5, $0x1;
	s5 =	sadd.s32 s21, s3  }
0x9d: {  	[timem:s7], [sflag:s22] =	dma.local [hbm:s5], s20  }
0x9e: {  	_ =	swait.ge [sflag:s22], s20  }
0x9f: {  	s4 =	ssub.s32 $0x0, s20;
	[sflag:s22] =	ssyncset.done $0x0  }
0xa0: {  	[sflag:s22] =	ssyncadd.s32 s4;
	_ =	sdelay $0x1  }
0xa1: {  	s23 =	simm.s32 $0x1B8B  }
0xa2: {  	_ =	swait.ge [sflag:s23], $0x1  }
0xa3: {  	[sflag:s23] =	ssyncset.done $0x0  }
0xa4: {  	s25 =	simm.s32 $0x1B8E;
	s24 =	sld [smem:$0x3FFE];
	[sflag:s23] =	ssyncadd.s32 $0xFFFFFFFF  }
0xa5: {  	s26 =	simm.s32 $execute0_lowered;
	[smem:$0x3FD2] =	sst s25  }
0xa6: {  	s5 =	sshll.u32 s26, $0x1;
	_ =	strace $0x8000004F;
	[dreg:$0x1] =	wrdreg $0xFFFFFFFF  }
0xa7: {  	s28 =	simm.s32 $_size_execute0_lowered;
	s3 =	sadd.s32 s3, s5;
	[dreg:$0x0] =	wrdreg $0x0  }
0xa8: {  	s5 =	sshll.u32 s28, $0x1;
	[dreg:$0x2] =	wrdreg s3  }
0xa9: {  	[dreg:$0x3] =	wrdreg s5  }
0xaa: {  	[dreg:$0x4] =	wrdreg $0xC0  }
0xab: {  	_ =	task [dreg:s7], $0x5FFFF  }
0xac: {  	[dreg:$0x1] =	wrdreg $0xFFFFFFFF  }
0xad: {  	[dreg:$0x0] =	wrdreg $0x60  }
0xae: {  	[dreg:$0x2] =	wrdreg s2  }
0xaf: {  	[dreg:$0x3] =	wrdreg s24  }
0xb0: {  	[dreg:$0x4] =	wrdreg $0x9  }
0xb1: {  	_ =	task.clear_ibuf [dreg:s7], $0x5FFFF;
	_ =	strace $0x9000004F  }
0xb2: {  	s29 =	simm.s32 $0x9;
	_ =	strace $0x80000051  }
0xb3: {  	_ =	swait.ge [sflag:s29], $0x1  }
0xb4: {  	[sflag:s29] =	ssyncadd.s32 $0xFFFFFFFF  }
0xb5: {  	_ =	strace $0x90000051  }
0xb6: {  	_ =	sfence  }
0xb7: {  	s30 =	sld [smem:$0x0];
	_ =	sdelay $0x2  }
0xb8: {  	s31 =	sshll.u32 s1, $0xD;
	s1 =	sshrl.u32 s1, $0x2  }
0xb9: {  	s3 =	sand.u32 $0x4000, s31;
	s1 =	sadd.s32 s1, s30  }
0xba: {  	s0 =	sor.u32 s3, s0;
	s1 =	sshll.u32 s1, $0x11  }
0xbb: {  	s0 =	sor.u32 s1, s0  }
0xbc: {  	s0 =	sadd.s32 $0x8F2B, s0  }
0xbd: {  	[sflag:s0] =	ssyncadd.remote.s32 $0x1  }
0xbe: {  	_ =	sfence.sel $0xFFFF  }
0xbf: {  	[dreg:$0x0] =	wrdreg $0xFFFFFFFF;
	(pc) =	sbr.abs _section_cstart, $3  }
0xc0: {  	[dreg:$0x1] =	wrdreg $0xFFFFFFFF  }
0xc1: {  	_ =	task.clear_ibuf [dreg:s7], $0x2FFFF;
	_ =	strace $0x9FFFFFFF  }
0xc2: {  	(tm) =	ssettm $0x7FFFFFFF  }
0xc3: {  	_ =	shalt  }
tec
execute0_lowered:
.L_overlay_start_1:
0x0: {  	(tag) =	ssettag $0x1  }
0x1: {  	s1 =	srdreg.scid;
	s0 =	stileid.u32  }
0x2: {  	s2 =	rddreg [dreg:$0x0];
	s13 =	sand.u32 $0x1, s1;
	s29 =	sshll.u32 s0, $0x1  }
0x3: {  	s14 =	rddreg [dreg:$0x1];
	s15 =	sor.u32 s13, s29  }
0x4: {  	s3 =	simm.s32 $0x0;
	s1 =	rddreg [dreg:$0x2];
	s4 =	sshll.u32 s15, $0x6  }
0x5: {  	[smem:$0x7FF] =	sst s3;
	s4 =	sadd.s32 s4, s14  }
0x6: {  	_ =	strace $0x80000050;
	s5 =	sadd.s32 $0x90800, s4;
	s4 =	simm.s32 $0x2  }
0x7: {  	[tilespmem:s3], [sflag:$0x2] =	stream.linear.gather [hbm4b:s5+s3], $0x180, $0x38;
	[tilespmem:$0x6E00] =	vst v63  }
0x8: {  	_ =	swait.ge [sflag:s4], $0x180  }
0x9: {  	[sflag:s4] =	ssyncset.done $0x0  }
0xa: {  	s6 =	simm.s32 $0x48;
	s7 =	simm.s32 $0x200;
	[sflag:s4] =	ssyncadd.s32 $0xFFFFFE80  }
0xb: {  	[tilespmem:s7], [sflag:$0x1] =	stream.indirect.gather [hbm4b:s2+s6], $0x80, s3, s6, $0xb8;
	[tilespmem:$0x6E00] =	vst v63  }
0xc: {  	s8 =	simm.s32 $0x80;
	s9 =	simm.s32 $0x2600  }
0xd: {  	[tilespmem:s9], [sflag:$0x1] =	stream.indirect.gather [hbm4b:s2+s6], $0x80, s8, s6, $0xb8;
	[tilespmem:$0x6E00] =	vst v63  }
0xe: {  	s10 =	simm.s32 $0x100;
	s11 =	simm.s32 $0x4A00;
	s12 =	simm.s32 $0x1  }
0xf: {  	[tilespmem:s11], [sflag:$0x1] =	stream.indirect.gather [hbm4b:s2+s6], $0x80, s10, s6, $0xb8;
	[tilespmem:$0x6E00] =	vst v63  }
0x10: {  	_ =	swait.ge [sflag:s12], $0x2400  }
0x11: {  	[sflag:s12] =	ssyncset.done $0x0  }
0x12: {  	s13 =	ssub.s32 $0x2, s13;
	[sflag:s12] =	ssyncadd.s32 $0xFFFFDC00  }
0x13: {  	s16 =	sshrl.u32 s13, $0x1;
	_ =	swait.ge [sflag:s12], $0x2400  }
0x14: {  	s15 =	smul.u32 $0x6C00, s15;
	s16 =	ssub.s32 s13, s16;
	[sflag:s12] =	ssyncset.done $0x0  }
0x15: {  	s31 =	smax.u32 s16, $0x1;
	[sflag:s12] =	ssyncadd.s32 $0xFFFFDC00  }
0x16: {  	s15 =	sshrl.u32 s15, $0x3;
	p0 =	sne.s32 s31, $0x1;
	_ =	swait.ge [sflag:s12], $0x2400  }
.Ltmp0:
0x17: {  	s30 =	sadd.s32 s14, s15;
	[sflag:s12] =	ssyncset.done $0x0;
	(pc) =	sbr.rel @!p0 .LBB2_2-.Ltmp0, $4  }
0x18: {  	s13 =	sadd.s32 $0x75800, s30;
	[sflag:s12] =	ssyncadd.s32 $0xFFFFDC00  }
0x19: {  	[hbm4b:s13+s3] =	stream.linear.scatter [tilespmem:s7], [sflag:$0x2], $0x6C00, $0x38;
	[tilespmem:$0x6E00] =	vst v63  }
0x1a: {  	_ =	swait.ge [sflag:s4], $0x6C00  }
0x1b: {  	s14 =	sadd.s32 $0xFFFFFFFF, s31;
	[sflag:s4] =	ssyncset.done $0x0  }
.LBB2_1:
0x1c: {  	p0 =	sne.s32 s14, $0x1;
	s14 =	sadd.s32 $0xFFFFFFFF, s14;
	[sflag:s4] =	ssyncadd.s32 $0xFFFF9400  }
0x1d: {  	[tilespmem:s3], [sflag:$0x2] =	stream.linear.gather [hbm4b:s5+s3], $0x180, $0x38;
	[tilespmem:$0x6E00] =	vst v63  }
0x1e: {  	_ =	swait.ge [sflag:s4], $0x180  }
0x1f: {  	[sflag:s4] =	ssyncset.done $0x0  }
0x20: {  	[sflag:s4] =	ssyncadd.s32 $0xFFFFFE80  }
0x21: {  	[tilespmem:s7], [sflag:$0x1] =	stream.indirect.gather [hbm4b:s2+s6], $0x80, s3, s6, $0xb8;
	[tilespmem:$0x6E00] =	vst v63  }
0x22: {  	_ = 	snop  }
0x23: {  	[tilespmem:s9], [sflag:$0x1] =	stream.indirect.gather [hbm4b:s2+s6], $0x80, s8, s6, $0xb8;
	[tilespmem:$0x6E00] =	vst v63  }
0x24: {  	_ = 	snop  }
0x25: {  	[tilespmem:s11], [sflag:$0x1] =	stream.indirect.gather [hbm4b:s2+s6], $0x80, s10, s6, $0xb8;
	[tilespmem:$0x6E00] =	vst v63  }
0x26: {  	_ =	swait.ge [sflag:s12], $0x2400  }
0x27: {  	[sflag:s12] =	ssyncset.done $0x0  }
0x28: {  	[sflag:s12] =	ssyncadd.s32 $0xFFFFDC00  }
0x29: {  	_ =	swait.ge [sflag:s12], $0x2400  }
0x2a: {  	[sflag:s12] =	ssyncset.done $0x0  }
0x2b: {  	[sflag:s12] =	ssyncadd.s32 $0xFFFFDC00  }
0x2c: {  	_ =	swait.ge [sflag:s12], $0x2400  }
.Ltmp1:
0x2d: {  	[sflag:s12] =	ssyncset.done $0x0;
	(pc) =	sbr.rel @p0 .LBB2_1-.Ltmp1, $4  }
0x2e: {  	[sflag:s12] =	ssyncadd.s32 $0xFFFFDC00  }
0x2f: {  	[hbm4b:s13+s3] =	stream.linear.scatter [tilespmem:s7], [sflag:$0x2], $0x6C00, $0x38;
	[tilespmem:$0x6E00] =	vst v63  }
0x30: {  	_ =	swait.ge [sflag:s4], $0x6C00  }
0x31: {  	[sflag:s4] =	ssyncset.done $0x0  }
.LBB2_2:
0x32: {  	[sflag:s4] =	ssyncadd.s32 $0xFFFF9400  }
0x33: {  	_ =	sfence.sel $0x180000  }
0x34: {  	[bflag:$0x0] =	sbarrier.arrive $0xFFFF  }
0x35: {  	p0 =	sne.s32 s0, $0x0;
	_ =	strace $0x90000050  }
0x36: {  	s0 =	sadd.s32 @!p0 $0x100000, s1;
	[bflag:$0x2] =	sbarrier.arrive $0xFFFF  }
0x37: {  	[sflag:s0] =	ssyncadd.tile.s32 @!p0 $0x1;
	_ =	shalt  }
.Lfunc_end2:
_tile_overlayer_lowered:
.L_overlay_start_2:
0x38: {  	(tag) =	ssettag $0x2  }
0x39: {  	s0 =	rddreg [dreg:$0x0];
	s2 =	stileid.u32  }
0x3a: {  	s1 =	rddreg [dreg:$0x1];
	p0 =	sne.s32 s2, $0x0  }
0x3b: {  	s3 =	rddreg [dreg:$0x2];
	[bflag:$0x3] =	sbarrier.arrive $0xFFFF;
	s2 =	simm.s32 @!p0 $0x1C02  }
0x3c: {  	[timem:s3], [sflag:s2] =	dma.local @!p0 [hbm:s0], s1  }
0x3d: {  	s0 =	simm.s32 @!p0 $0x2  }
0x3e: {  	_ =	swait.ge @!p0 [sflag:s0], s1  }
0x3f: {  	s1 =	ssub.s32 @!p0 $0x0, s1;
	[sflag:s0] =	ssyncset.done @!p0 $0x0  }
0x40: {  	[sflag:s0] =	ssyncadd.s32 @!p0 s1  }
0x41: {  	[bflag:$0x3] =	sbarrier.arrive $0xFFFF  }
0x42: {  	_ =	shalt  }

</sc_bundles>
